<compile_context>
chip_gen: v7x
topology: tpu7x:2x2x1
jax: 0.10.2.dev20260603
libtpu: 0.0.44.dev20260713+nightly
codegen_flags: <defaults>
</compile_context>

<pallas_src>
import functools

import jax
import jax.numpy as jnp
from jax import lax
from jax.experimental import pallas as pl
from jax.experimental.pallas import tpu as pltpu
from jax.experimental.pallas import tpu_sc as plsc

N, E, D = 10000, 320000, 128
NC, NS = 2, 16
NW = NC * NS
L = 16
EP = E // NW
CH = 80
NCH = EP // CH
RP = 624
RT = N - NS * RP
_CHUNKS = [(i * CH, CH) for i in range(RP // CH)] + [(RP - RP % CH, RP % CH)]

_mesh = plsc.VectorSubcoreMesh(core_axis_name="c", subcore_axis_name="s")


@functools.partial(
    pl.kernel,
    out_type=(
        jax.ShapeDtypeStruct((NC, N, D), jnp.float32),
        jax.ShapeDtypeStruct((NW, N), jnp.float32),
    ),
    mesh=_mesh,
    compiler_params=pltpu.CompilerParams(needs_layout_passes=False),
    scratch_types=(
        pltpu.VMEM((CH,), jnp.int32),
        pltpu.VMEM((CH,), jnp.int32),
        pltpu.VMEM((CH, D), jnp.float32),
        pltpu.VMEM((N,), jnp.float32),
        pltpu.VMEM_SHARED((N, D), jnp.float32),
        pltpu.SemaphoreType.DMA,
    ),
)
def _sc_aggregate(x_hbm, src_hbm, dst_hbm, zacc_hbm, zdeg_hbm,
                  acc_out, deg_out,
                  src_v, dst_v, rows_v, deg_v, acc_sh, sem):
    cid = lax.axis_index("c")
    sid = lax.axis_index("s")
    wid = cid * NS + sid

    pltpu.sync_copy(zdeg_hbm, deg_v)
    pltpu.sync_copy(zacc_hbm, rows_v)
    r0 = pl.multiple_of(sid * RP, 8)
    for o, s in _CHUNKS:
        pltpu.sync_copy(rows_v.at[pl.ds(0, s)], acc_sh.at[pl.ds(r0 + o, s)])

    @pl.when(sid == 0)
    def _zero_tail():
        pltpu.sync_copy(rows_v.at[pl.ds(0, RT)], acc_sh.at[pl.ds(NS * RP, RT)])

    plsc.subcore_barrier()

    ebase = wid * EP

    def chunk(k, carry):
        ones = jnp.ones((L,), jnp.float32)
        base = pl.multiple_of(ebase + k * CH, 8)
        pltpu.sync_copy(src_hbm.at[pl.ds(base, CH)], src_v)
        pltpu.sync_copy(dst_hbm.at[pl.ds(base, CH)], dst_v)
        pltpu.sync_copy(rows_v, acc_sh.at[dst_v], add=True)
        for j in range(CH // L):
            idx = dst_v[pl.ds(j * L, L)]
            plsc.addupdate_scatter(deg_v, [idx], ones)
        return carry

    lax.fori_loop(0, NCH, chunk, 0)
    plsc.subcore_barrier()

    for o, s in _CHUNKS:
        rj = pl.multiple_of(r0 + o, 8)
        pltpu.sync_copy(acc_sh.at[pl.ds(rj, s)], rows_v.at[pl.ds(0, s)])
        pltpu.sync_copy(rows_v.at[pl.ds(0, s)], acc_out.at[cid, pl.ds(rj, s)])

    @pl.when(sid == 0)
    def _write_tail():
        pltpu.sync_copy(acc_sh.at[pl.ds(NS * RP, RT)], rows_v.at[pl.ds(0, RT)])
        pltpu.sync_copy(rows_v.at[pl.ds(0, RT)],
                        acc_out.at[cid, pl.ds(NS * RP, RT)])

    pltpu.sync_copy(deg_v, deg_out.at[wid])


RB = 1000


def _tc_body(x_ref, acc_ref, deg_ref, w1_ref, w2_ref, b_ref, g_ref, bt_ref,
             o_ref):
    deg = jnp.sum(deg_ref[...], axis=1, keepdims=True)
    norm = jnp.where(deg > 0.0, 1.0 / deg, 0.0)
    agg = (acc_ref[0] + acc_ref[1]) * norm
    h = jnp.dot(x_ref[...], w1_ref[...], preferred_element_type=jnp.float32,
                precision=lax.Precision.HIGHEST)
    h = h + jnp.dot(agg, w2_ref[...], preferred_element_type=jnp.float32,
                    precision=lax.Precision.HIGHEST)
    h = h + b_ref[...]
    mean = jnp.mean(h, axis=-1, keepdims=True)
    cent = h - mean
    var = jnp.mean(cent * cent, axis=-1, keepdims=True)
    y = cent * lax.rsqrt(var + 1e-5) * g_ref[...] + bt_ref[...]
    o_ref[...] = jnp.maximum(y, 0.0)


_tc_dense = pl.pallas_call(
    _tc_body,
    out_shape=jax.ShapeDtypeStruct((N, D), jnp.float32),
    grid=(N // RB,),
    in_specs=[
        pl.BlockSpec((RB, D), lambda i: (i, 0)),
        pl.BlockSpec((NC, RB, D), lambda i: (0, i, 0)),
        pl.BlockSpec((RB, NW), lambda i: (i, 0)),
        pl.BlockSpec((D, D), lambda i: (0, 0)),
        pl.BlockSpec((D, D), lambda i: (0, 0)),
        pl.BlockSpec((1, D), lambda i: (0, 0)),
        pl.BlockSpec((1, D), lambda i: (0, 0)),
        pl.BlockSpec((1, D), lambda i: (0, 0)),
    ],
    out_specs=pl.BlockSpec((RB, D), lambda i: (i, 0)),
)


def kernel(x, edge_index, W, b, gamma, beta):
    src = edge_index[0]
    dst = edge_index[1]
    zacc = jnp.zeros((CH, D), jnp.float32)
    zdeg = jnp.zeros((N,), jnp.float32)
    acc, deg = _sc_aggregate(x, src, dst, zacc, zdeg)
    w1t = W[:, :D].T
    w2t = W[:, D:].T
    return _tc_dense(x, acc, deg.T, w1t, w2t, b[None, :], gamma[None, :],
                     beta[None, :])

# --- scband reference (transcript-rebuilt; emitter-appended) ---
"""Pipeline reference for scband-graph-sagelayer-42288247996604 (READ-ONLY COPY).

The authoritative reference and input builder live on the scoring server;
editing this copy changes nothing except your own understanding.
"""

import jax, jax.numpy as jnp
import numpy as np
import math

N, E, D_IN, D_OUT = 10000, 320000, 128, 128

def setup_inputs(seed: int = 0):
    key = jax.random.key(seed)
    ks = jax.random.split(key, 5)
    x = jax.random.normal(ks[0], (N, D_IN), dtype=jnp.float32)
    edge_index = jax.random.randint(ks[1], (2, E), 0, N, dtype=jnp.int32)
    stdv = 1.0 / math.sqrt(2 * D_IN)
    W = jax.random.uniform(ks[2], (D_OUT, 2 * D_IN), dtype=jnp.float32, minval=-stdv, maxval=stdv)
    b = jax.random.uniform(ks[3], (D_OUT,), dtype=jnp.float32, minval=-stdv, maxval=stdv)
    gamma = jnp.ones((D_OUT,), dtype=jnp.float32)
    beta = jnp.zeros((D_OUT,), dtype=jnp.float32)
    return {"x": x, "edge_index": edge_index, "W": W, "b": b, "gamma": gamma, "beta": beta}

def reference(x, edge_index, W, b, gamma, beta):
    src = edge_index[0]
    dst = edge_index[1]
    n = x.shape[0]
    # message passing: copy_src -> sum reduce (scatter-add over dst)
    msgs = jnp.take(x, src, axis=0)
    ah = jax.ops.segment_sum(msgs, dst, num_segments=n)
    # in-degree normalization; inf -> 0 for isolated nodes
    deg = jax.ops.segment_sum(jnp.ones((dst.shape[0],), dtype=jnp.float32), dst, num_segments=n)
    norm = jnp.where(deg > 0, 1.0 / deg, 0.0)[:, None]
    # concat self + normalized aggregate
    h = jnp.concatenate([x, ah * norm], axis=1)
    # dropout p=0.0 -> identity
    # linear
    h = h @ W.T + b
    # layer norm (elementwise affine)
    mean = jnp.mean(h, axis=-1, keepdims=True)
    var = jnp.var(h, axis=-1, keepdims=True)
    h = (h - mean) / jnp.sqrt(var + 1e-5) * gamma + beta
    # activation
    return jax.nn.relu(h)

if __name__ == "__main__":
    import jax
    _d = setup_inputs()
    print(jax.jit(kernel)(*tuple(_d.values())))

</pallas_src>

<mosaic_0001>
#map = affine_map<(d0, d1) -> (0, 0)>
#map1 = affine_map<(d0, d1) -> (0)>
#map2 = affine_map<(d0, d1) -> (0, 0, 0)>
module attributes {stable_mosaic.version = 14 : i64} {
  func.func @_sc_aggregate(%arg0: i32, %arg1: i32, %arg2: memref<10000x128xf32, #tpu.memory_space<hbm>>, %arg3: memref<320000xi32, #tpu.memory_space<hbm>>, %arg4: memref<320000xi32, #tpu.memory_space<hbm>>, %arg5: memref<80x128xf32, #tpu.memory_space<hbm>>, %arg6: memref<10000xf32, #tpu.memory_space<hbm>>, %arg7: memref<2x10000x128xf32, #tpu.memory_space<hbm>>, %arg8: memref<32x10000xf32, #tpu.memory_space<hbm>>, %arg9: memref<80xi32, #tpu.memory_space<vmem>>, %arg10: memref<80xi32, #tpu.memory_space<vmem>>, %arg11: memref<80x128xf32, #tpu.memory_space<vmem>>, %arg12: memref<10000xf32, #tpu.memory_space<vmem>>, %arg13: memref<10000x128xf32, #tpu.memory_space<vmem_shared>>, %arg14: memref<!tpu.dma_semaphore, #tpu.memory_space<semaphore_mem>>) attributes {dimension_semantics = [#tpu.dimension_semantics<core_parallel>, #tpu.dimension_semantics<subcore_parallel>], iteration_bounds = array<i64: 2, 16>, scalar_prefetch = 0 : i64, scratch_operands = 6 : i64, tpu.core_type = #tpu.core_type<sc_vector_subcore>, window_params = [{transform_indices = #map}, {transform_indices = #map1}, {transform_indices = #map1}, {transform_indices = #map}, {transform_indices = #map1}, {transform_indices = #map2}, {transform_indices = #map}]} {
    %mul3A = arith.constant 16 : i32
    %mul3A_0 = arith.muli %arg0, %mul3A : i32
    %add3A = arith.addi %mul3A_0, %arg1 : i32
    "tpu.region"() ({
      %run_scoped3A = tpu.sem_alloc : memref<!tpu.dma_semaphore, #tpu.memory_space<semaphore_mem>>
      tpu.enqueue_dma source(%arg6 : memref<10000xf32, #tpu.memory_space<hbm>>) target(%arg12 : memref<10000xf32, #tpu.memory_space<vmem>>) target_semaphore(%run_scoped3A : memref<!tpu.dma_semaphore, #tpu.memory_space<semaphore_mem>>)
      tpu.wait_dma2 semaphore(%run_scoped3A : memref<!tpu.dma_semaphore, #tpu.memory_space<semaphore_mem>>) src(%arg6 : memref<10000xf32, #tpu.memory_space<hbm>>) dst(%arg12 : memref<10000xf32, #tpu.memory_space<vmem>>)
      tpu.yield
    }) : () -> ()
    "tpu.region"() ({
      %run_scoped3A = tpu.sem_alloc : memref<!tpu.dma_semaphore, #tpu.memory_space<semaphore_mem>>
      tpu.enqueue_dma source(%arg5 : memref<80x128xf32, #tpu.memory_space<hbm>>) target(%arg11 : memref<80x128xf32, #tpu.memory_space<vmem>>) target_semaphore(%run_scoped3A : memref<!tpu.dma_semaphore, #tpu.memory_space<semaphore_mem>>)
      tpu.wait_dma2 semaphore(%run_scoped3A : memref<!tpu.dma_semaphore, #tpu.memory_space<semaphore_mem>>) src(%arg5 : memref<80x128xf32, #tpu.memory_space<hbm>>) dst(%arg11 : memref<80x128xf32, #tpu.memory_space<vmem>>)
      tpu.yield
    }) : () -> ()
    %mul3A_1 = arith.constant 624 : i32
    %mul3A_2 = arith.muli %arg1, %mul3A_1 : i32
    %multiple_of3A = tpu.assume_multiple %mul3A_2, 8 : i32
    %add3A_3 = arith.constant 0 : i32
    %add3A_4 = arith.addi %multiple_of3A, %add3A_3 : i32
    "tpu.region"() ({
      %run_scoped3A = tpu.sem_alloc : memref<!tpu.dma_semaphore, #tpu.memory_space<semaphore_mem>>
      %dma_start3A = arith.constant 0 : i32
      %dma_start3A_58 = arith.constant 0 : i32
      %dma_start3A_59 = tpu.memref_slice %arg11[%dma_start3A, %dma_start3A_58] : memref<80x128xf32, #tpu.memory_space<vmem>> -> memref<80x128xf32, #tpu.memory_space<vmem>>
      %dma_start3A_60 = arith.constant 0 : i32
      %dma_start3A_61 = tpu.memref_slice %arg13[%add3A_4, %dma_start3A_60] : memref<10000x128xf32, #tpu.memory_space<vmem_shared>> -> memref<80x128xf32, #tpu.memory_space<vmem_shared>>
      %dma_start3A_62 = arith.constant 0 : i32
      %dma_start3A_63 = tpu.memref_slice %arg13[%add3A_4, %dma_start3A_62] : memref<10000x128xf32, #tpu.memory_space<vmem_shared>> -> memref<80x128xf32, #tpu.memory_space<vmem_shared>>
      %dma_start3A_64 = arith.constant 0 : i32
      %dma_start3A_65 = arith.constant 0 : i32
      %dma_start3A_66 = tpu.memref_slice %arg11[%dma_start3A_64, %dma_start3A_65] : memref<80x128xf32, #tpu.memory_space<vmem>> -> memref<80x128xf32, #tpu.memory_space<vmem>>
      tpu.enqueue_dma source(%dma_start3A_66 : memref<80x128xf32, #tpu.memory_space<vmem>>) target(%dma_start3A_63 : memref<80x128xf32, #tpu.memory_space<vmem_shared>>) target_semaphore(%run_scoped3A : memref<!tpu.dma_semaphore, #tpu.memory_space<semaphore_mem>>)
      %dma_wait3A = arith.constant 0 : i32
      %dma_wait3A_67 = arith.constant 0 : i32
      %dma_wait3A_68 = tpu.memref_slice %arg11[%dma_wait3A, %dma_wait3A_67] : memref<80x128xf32, #tpu.memory_space<vmem>> -> memref<80x128xf32, #tpu.memory_space<vmem>>
      %dma_wait3A_69 = arith.constant 0 : i32
      %dma_wait3A_70 = tpu.memref_slice %arg13[%add3A_4, %dma_wait3A_69] : memref<10000x128xf32, #tpu.memory_space<vmem_shared>> -> memref<80x128xf32, #tpu.memory_space<vmem_shared>>
      %dma_wait3A_71 = arith.constant 0 : i32
      %dma_wait3A_72 = tpu.memref_slice %arg13[%add3A_4, %dma_wait3A_71] : memref<10000x128xf32, #tpu.memory_space<vmem_shared>> -> memref<80x128xf32, #tpu.memory_space<vmem_shared>>
      %dma_wait3A_73 = arith.constant 0 : i32
      %dma_wait3A_74 = arith.constant 0 : i32
      %dma_wait3A_75 = tpu.memref_slice %arg11[%dma_wait3A_73, %dma_wait3A_74] : memref<80x128xf32, #tpu.memory_space<vmem>> -> memref<80x128xf32, #tpu.memory_space<vmem>>
      tpu.wait_dma2 semaphore(%run_scoped3A : memref<!tpu.dma_semaphore, #tpu.memory_space<semaphore_mem>>) src(%dma_wait3A_75 : memref<80x128xf32, #tpu.memory_space<vmem>>) dst(%dma_wait3A_72 : memref<80x128xf32, #tpu.memory_space<vmem_shared>>)
      tpu.yield
    }) : () -> ()
    %add3A_5 = arith.constant 80 : i32
    %add3A_6 = arith.addi %multiple_of3A, %add3A_5 : i32
    "tpu.region"() ({
      %run_scoped3A = tpu.sem_alloc : memref<!tpu.dma_semaphore, #tpu.memory_space<semaphore_mem>>
      %dma_start3A = arith.constant 0 : i32
      %dma_start3A_58 = arith.constant 0 : i32
      %dma_start3A_59 = tpu.memref_slice %arg11[%dma_start3A, %dma_start3A_58] : memref<80x128xf32, #tpu.memory_space<vmem>> -> memref<80x128xf32, #tpu.memory_space<vmem>>
      %dma_start3A_60 = arith.constant 0 : i32
      %dma_start3A_61 = tpu.memref_slice %arg13[%add3A_6, %dma_start3A_60] : memref<10000x128xf32, #tpu.memory_space<vmem_shared>> -> memref<80x128xf32, #tpu.memory_space<vmem_shared>>
      %dma_start3A_62 = arith.constant 0 : i32
      %dma_start3A_63 = tpu.memref_slice %arg13[%add3A_6, %dma_start3A_62] : memref<10000x128xf32, #tpu.memory_space<vmem_shared>> -> memref<80x128xf32, #tpu.memory_space<vmem_shared>>
      %dma_start3A_64 = arith.constant 0 : i32
      %dma_start3A_65 = arith.constant 0 : i32
      %dma_start3A_66 = tpu.memref_slice %arg11[%dma_start3A_64, %dma_start3A_65] : memref<80x128xf32, #tpu.memory_space<vmem>> -> memref<80x128xf32, #tpu.memory_space<vmem>>
      tpu.enqueue_dma source(%dma_start3A_66 : memref<80x128xf32, #tpu.memory_space<vmem>>) target(%dma_start3A_63 : memref<80x128xf32, #tpu.memory_space<vmem_shared>>) target_semaphore(%run_scoped3A : memref<!tpu.dma_semaphore, #tpu.memory_space<semaphore_mem>>)
      %dma_wait3A = arith.constant 0 : i32
      %dma_wait3A_67 = arith.constant 0 : i32
      %dma_wait3A_68 = tpu.memref_slice %arg11[%dma_wait3A, %dma_wait3A_67] : memref<80x128xf32, #tpu.memory_space<vmem>> -> memref<80x128xf32, #tpu.memory_space<vmem>>
      %dma_wait3A_69 = arith.constant 0 : i32
      %dma_wait3A_70 = tpu.memref_slice %arg13[%add3A_6, %dma_wait3A_69] : memref<10000x128xf32, #tpu.memory_space<vmem_shared>> -> memref<80x128xf32, #tpu.memory_space<vmem_shared>>
      %dma_wait3A_71 = arith.constant 0 : i32
      %dma_wait3A_72 = tpu.memref_slice %arg13[%add3A_6, %dma_wait3A_71] : memref<10000x128xf32, #tpu.memory_space<vmem_shared>> -> memref<80x128xf32, #tpu.memory_space<vmem_shared>>
      %dma_wait3A_73 = arith.constant 0 : i32
      %dma_wait3A_74 = arith.constant 0 : i32
      %dma_wait3A_75 = tpu.memref_slice %arg11[%dma_wait3A_73, %dma_wait3A_74] : memref<80x128xf32, #tpu.memory_space<vmem>> -> memref<80x128xf32, #tpu.memory_space<vmem>>
      tpu.wait_dma2 semaphore(%run_scoped3A : memref<!tpu.dma_semaphore, #tpu.memory_space<semaphore_mem>>) src(%dma_wait3A_75 : memref<80x128xf32, #tpu.memory_space<vmem>>) dst(%dma_wait3A_72 : memref<80x128xf32, #tpu.memory_space<vmem_shared>>)
      tpu.yield
    }) : () -> ()
    %add3A_7 = arith.constant 160 : i32
    %add3A_8 = arith.addi %multiple_of3A, %add3A_7 : i32
    "tpu.region"() ({
      %run_scoped3A = tpu.sem_alloc : memref<!tpu.dma_semaphore, #tpu.memory_space<semaphore_mem>>
      %dma_start3A = arith.constant 0 : i32
      %dma_start3A_58 = arith.constant 0 : i32
      %dma_start3A_59 = tpu.memref_slice %arg11[%dma_start3A, %dma_start3A_58] : memref<80x128xf32, #tpu.memory_space<vmem>> -> memref<80x128xf32, #tpu.memory_space<vmem>>
      %dma_start3A_60 = arith.constant 0 : i32
      %dma_start3A_61 = tpu.memref_slice %arg13[%add3A_8, %dma_start3A_60] : memref<10000x128xf32, #tpu.memory_space<vmem_shared>> -> memref<80x128xf32, #tpu.memory_space<vmem_shared>>
      %dma_start3A_62 = arith.constant 0 : i32
      %dma_start3A_63 = tpu.memref_slice %arg13[%add3A_8, %dma_start3A_62] : memref<10000x128xf32, #tpu.memory_space<vmem_shared>> -> memref<80x128xf32, #tpu.memory_space<vmem_shared>>
      %dma_start3A_64 = arith.constant 0 : i32
      %dma_start3A_65 = arith.constant 0 : i32
      %dma_start3A_66 = tpu.memref_slice %arg11[%dma_start3A_64, %dma_start3A_65] : memref<80x128xf32, #tpu.memory_space<vmem>> -> memref<80x128xf32, #tpu.memory_space<vmem>>
      tpu.enqueue_dma source(%dma_start3A_66 : memref<80x128xf32, #tpu.memory_space<vmem>>) target(%dma_start3A_63 : memref<80x128xf32, #tpu.memory_space<vmem_shared>>) target_semaphore(%run_scoped3A : memref<!tpu.dma_semaphore, #tpu.memory_space<semaphore_mem>>)
      %dma_wait3A = arith.constant 0 : i32
      %dma_wait3A_67 = arith.constant 0 : i32
      %dma_wait3A_68 = tpu.memref_slice %arg11[%dma_wait3A, %dma_wait3A_67] : memref<80x128xf32, #tpu.memory_space<vmem>> -> memref<80x128xf32, #tpu.memory_space<vmem>>
      %dma_wait3A_69 = arith.constant 0 : i32
      %dma_wait3A_70 = tpu.memref_slice %arg13[%add3A_8, %dma_wait3A_69] : memref<10000x128xf32, #tpu.memory_space<vmem_shared>> -> memref<80x128xf32, #tpu.memory_space<vmem_shared>>
      %dma_wait3A_71 = arith.constant 0 : i32
      %dma_wait3A_72 = tpu.memref_slice %arg13[%add3A_8, %dma_wait3A_71] : memref<10000x128xf32, #tpu.memory_space<vmem_shared>> -> memref<80x128xf32, #tpu.memory_space<vmem_shared>>
      %dma_wait3A_73 = arith.constant 0 : i32
      %dma_wait3A_74 = arith.constant 0 : i32
      %dma_wait3A_75 = tpu.memref_slice %arg11[%dma_wait3A_73, %dma_wait3A_74] : memref<80x128xf32, #tpu.memory_space<vmem>> -> memref<80x128xf32, #tpu.memory_space<vmem>>
      tpu.wait_dma2 semaphore(%run_scoped3A : memref<!tpu.dma_semaphore, #tpu.memory_space<semaphore_mem>>) src(%dma_wait3A_75 : memref<80x128xf32, #tpu.memory_space<vmem>>) dst(%dma_wait3A_72 : memref<80x128xf32, #tpu.memory_space<vmem_shared>>)
      tpu.yield
    }) : () -> ()
    %add3A_9 = arith.constant 240 : i32
    %add3A_10 = arith.addi %multiple_of3A, %add3A_9 : i32
    "tpu.region"() ({
      %run_scoped3A = tpu.sem_alloc : memref<!tpu.dma_semaphore, #tpu.memory_space<semaphore_mem>>
      %dma_start3A = arith.constant 0 : i32
      %dma_start3A_58 = arith.constant 0 : i32
      %dma_start3A_59 = tpu.memref_slice %arg11[%dma_start3A, %dma_start3A_58] : memref<80x128xf32, #tpu.memory_space<vmem>> -> memref<80x128xf32, #tpu.memory_space<vmem>>
      %dma_start3A_60 = arith.constant 0 : i32
      %dma_start3A_61 = tpu.memref_slice %arg13[%add3A_10, %dma_start3A_60] : memref<10000x128xf32, #tpu.memory_space<vmem_shared>> -> memref<80x128xf32, #tpu.memory_space<vmem_shared>>
      %dma_start3A_62 = arith.constant 0 : i32
      %dma_start3A_63 = tpu.memref_slice %arg13[%add3A_10, %dma_start3A_62] : memref<10000x128xf32, #tpu.memory_space<vmem_shared>> -> memref<80x128xf32, #tpu.memory_space<vmem_shared>>
      %dma_start3A_64 = arith.constant 0 : i32
      %dma_start3A_65 = arith.constant 0 : i32
      %dma_start3A_66 = tpu.memref_slice %arg11[%dma_start3A_64, %dma_start3A_65] : memref<80x128xf32, #tpu.memory_space<vmem>> -> memref<80x128xf32, #tpu.memory_space<vmem>>
      tpu.enqueue_dma source(%dma_start3A_66 : memref<80x128xf32, #tpu.memory_space<vmem>>) target(%dma_start3A_63 : memref<80x128xf32, #tpu.memory_space<vmem_shared>>) target_semaphore(%run_scoped3A : memref<!tpu.dma_semaphore, #tpu.memory_space<semaphore_mem>>)
      %dma_wait3A = arith.constant 0 : i32
      %dma_wait3A_67 = arith.constant 0 : i32
      %dma_wait3A_68 = tpu.memref_slice %arg11[%dma_wait3A, %dma_wait3A_67] : memref<80x128xf32, #tpu.memory_space<vmem>> -> memref<80x128xf32, #tpu.memory_space<vmem>>
      %dma_wait3A_69 = arith.constant 0 : i32
      %dma_wait3A_70 = tpu.memref_slice %arg13[%add3A_10, %dma_wait3A_69] : memref<10000x128xf32, #tpu.memory_space<vmem_shared>> -> memref<80x128xf32, #tpu.memory_space<vmem_shared>>
      %dma_wait3A_71 = arith.constant 0 : i32
      %dma_wait3A_72 = tpu.memref_slice %arg13[%add3A_10, %dma_wait3A_71] : memref<10000x128xf32, #tpu.memory_space<vmem_shared>> -> memref<80x128xf32, #tpu.memory_space<vmem_shared>>
      %dma_wait3A_73 = arith.constant 0 : i32
      %dma_wait3A_74 = arith.constant 0 : i32
      %dma_wait3A_75 = tpu.memref_slice %arg11[%dma_wait3A_73, %dma_wait3A_74] : memref<80x128xf32, #tpu.memory_space<vmem>> -> memref<80x128xf32, #tpu.memory_space<vmem>>
      tpu.wait_dma2 semaphore(%run_scoped3A : memref<!tpu.dma_semaphore, #tpu.memory_space<semaphore_mem>>) src(%dma_wait3A_75 : memref<80x128xf32, #tpu.memory_space<vmem>>) dst(%dma_wait3A_72 : memref<80x128xf32, #tpu.memory_space<vmem_shared>>)
      tpu.yield
    }) : () -> ()
    %add3A_11 = arith.constant 320 : i32
    %add3A_12 = arith.addi %multiple_of3A, %add3A_11 : i32
    "tpu.region"() ({
      %run_scoped3A = tpu.sem_alloc : memref<!tpu.dma_semaphore, #tpu.memory_space<semaphore_mem>>
      %dma_start3A = arith.constant 0 : i32
      %dma_start3A_58 = arith.constant 0 : i32
      %dma_start3A_59 = tpu.memref_slice %arg11[%dma_start3A, %dma_start3A_58] : memref<80x128xf32, #tpu.memory_space<vmem>> -> memref<80x128xf32, #tpu.memory_space<vmem>>
      %dma_start3A_60 = arith.constant 0 : i32
      %dma_start3A_61 = tpu.memref_slice %arg13[%add3A_12, %dma_start3A_60] : memref<10000x128xf32, #tpu.memory_space<vmem_shared>> -> memref<80x128xf32, #tpu.memory_space<vmem_shared>>
      %dma_start3A_62 = arith.constant 0 : i32
      %dma_start3A_63 = tpu.memref_slice %arg13[%add3A_12, %dma_start3A_62] : memref<10000x128xf32, #tpu.memory_space<vmem_shared>> -> memref<80x128xf32, #tpu.memory_space<vmem_shared>>
      %dma_start3A_64 = arith.constant 0 : i32
      %dma_start3A_65 = arith.constant 0 : i32
      %dma_start3A_66 = tpu.memref_slice %arg11[%dma_start3A_64, %dma_start3A_65] : memref<80x128xf32, #tpu.memory_space<vmem>> -> memref<80x128xf32, #tpu.memory_space<vmem>>
      tpu.enqueue_dma source(%dma_start3A_66 : memref<80x128xf32, #tpu.memory_space<vmem>>) target(%dma_start3A_63 : memref<80x128xf32, #tpu.memory_space<vmem_shared>>) target_semaphore(%run_scoped3A : memref<!tpu.dma_semaphore, #tpu.memory_space<semaphore_mem>>)
      %dma_wait3A = arith.constant 0 : i32
      %dma_wait3A_67 = arith.constant 0 : i32
      %dma_wait3A_68 = tpu.memref_slice %arg11[%dma_wait3A, %dma_wait3A_67] : memref<80x128xf32, #tpu.memory_space<vmem>> -> memref<80x128xf32, #tpu.memory_space<vmem>>
      %dma_wait3A_69 = arith.constant 0 : i32
      %dma_wait3A_70 = tpu.memref_slice %arg13[%add3A_12, %dma_wait3A_69] : memref<10000x128xf32, #tpu.memory_space<vmem_shared>> -> memref<80x128xf32, #tpu.memory_space<vmem_shared>>
      %dma_wait3A_71 = arith.constant 0 : i32
      %dma_wait3A_72 = tpu.memref_slice %arg13[%add3A_12, %dma_wait3A_71] : memref<10000x128xf32, #tpu.memory_space<vmem_shared>> -> memref<80x128xf32, #tpu.memory_space<vmem_shared>>
      %dma_wait3A_73 = arith.constant 0 : i32
      %dma_wait3A_74 = arith.constant 0 : i32
      %dma_wait3A_75 = tpu.memref_slice %arg11[%dma_wait3A_73, %dma_wait3A_74] : memref<80x128xf32, #tpu.memory_space<vmem>> -> memref<80x128xf32, #tpu.memory_space<vmem>>
      tpu.wait_dma2 semaphore(%run_scoped3A : memref<!tpu.dma_semaphore, #tpu.memory_space<semaphore_mem>>) src(%dma_wait3A_75 : memref<80x128xf32, #tpu.memory_space<vmem>>) dst(%dma_wait3A_72 : memref<80x128xf32, #tpu.memory_space<vmem_shared>>)
      tpu.yield
    }) : () -> ()
    %add3A_13 = arith.constant 400 : i32
    %add3A_14 = arith.addi %multiple_of3A, %add3A_13 : i32
    "tpu.region"() ({
      %run_scoped3A = tpu.sem_alloc : memref<!tpu.dma_semaphore, #tpu.memory_space<semaphore_mem>>
      %dma_start3A = arith.constant 0 : i32
      %dma_start3A_58 = arith.constant 0 : i32
      %dma_start3A_59 = tpu.memref_slice %arg11[%dma_start3A, %dma_start3A_58] : memref<80x128xf32, #tpu.memory_space<vmem>> -> memref<80x128xf32, #tpu.memory_space<vmem>>
      %dma_start3A_60 = arith.constant 0 : i32
      %dma_start3A_61 = tpu.memref_slice %arg13[%add3A_14, %dma_start3A_60] : memref<10000x128xf32, #tpu.memory_space<vmem_shared>> -> memref<80x128xf32, #tpu.memory_space<vmem_shared>>
      %dma_start3A_62 = arith.constant 0 : i32
      %dma_start3A_63 = tpu.memref_slice %arg13[%add3A_14, %dma_start3A_62] : memref<10000x128xf32, #tpu.memory_space<vmem_shared>> -> memref<80x128xf32, #tpu.memory_space<vmem_shared>>
      %dma_start3A_64 = arith.constant 0 : i32
      %dma_start3A_65 = arith.constant 0 : i32
      %dma_start3A_66 = tpu.memref_slice %arg11[%dma_start3A_64, %dma_start3A_65] : memref<80x128xf32, #tpu.memory_space<vmem>> -> memref<80x128xf32, #tpu.memory_space<vmem>>
      tpu.enqueue_dma source(%dma_start3A_66 : memref<80x128xf32, #tpu.memory_space<vmem>>) target(%dma_start3A_63 : memref<80x128xf32, #tpu.memory_space<vmem_shared>>) target_semaphore(%run_scoped3A : memref<!tpu.dma_semaphore, #tpu.memory_space<semaphore_mem>>)
      %dma_wait3A = arith.constant 0 : i32
      %dma_wait3A_67 = arith.constant 0 : i32
      %dma_wait3A_68 = tpu.memref_slice %arg11[%dma_wait3A, %dma_wait3A_67] : memref<80x128xf32, #tpu.memory_space<vmem>> -> memref<80x128xf32, #tpu.memory_space<vmem>>
      %dma_wait3A_69 = arith.constant 0 : i32
      %dma_wait3A_70 = tpu.memref_slice %arg13[%add3A_14, %dma_wait3A_69] : memref<10000x128xf32, #tpu.memory_space<vmem_shared>> -> memref<80x128xf32, #tpu.memory_space<vmem_shared>>
      %dma_wait3A_71 = arith.constant 0 : i32
      %dma_wait3A_72 = tpu.memref_slice %arg13[%add3A_14, %dma_wait3A_71] : memref<10000x128xf32, #tpu.memory_space<vmem_shared>> -> memref<80x128xf32, #tpu.memory_space<vmem_shared>>
      %dma_wait3A_73 = arith.constant 0 : i32
      %dma_wait3A_74 = arith.constant 0 : i32
      %dma_wait3A_75 = tpu.memref_slice %arg11[%dma_wait3A_73, %dma_wait3A_74] : memref<80x128xf32, #tpu.memory_space<vmem>> -> memref<80x128xf32, #tpu.memory_space<vmem>>
      tpu.wait_dma2 semaphore(%run_scoped3A : memref<!tpu.dma_semaphore, #tpu.memory_space<semaphore_mem>>) src(%dma_wait3A_75 : memref<80x128xf32, #tpu.memory_space<vmem>>) dst(%dma_wait3A_72 : memref<80x128xf32, #tpu.memory_space<vmem_shared>>)
      tpu.yield
    }) : () -> ()
    %add3A_15 = arith.constant 480 : i32
    %add3A_16 = arith.addi %multiple_of3A, %add3A_15 : i32
    "tpu.region"() ({
      %run_scoped3A = tpu.sem_alloc : memref<!tpu.dma_semaphore, #tpu.memory_space<semaphore_mem>>
      %dma_start3A = arith.constant 0 : i32
      %dma_start3A_58 = arith.constant 0 : i32
      %dma_start3A_59 = tpu.memref_slice %arg11[%dma_start3A, %dma_start3A_58] : memref<80x128xf32, #tpu.memory_space<vmem>> -> memref<80x128xf32, #tpu.memory_space<vmem>>
      %dma_start3A_60 = arith.constant 0 : i32
      %dma_start3A_61 = tpu.memref_slice %arg13[%add3A_16, %dma_start3A_60] : memref<10000x128xf32, #tpu.memory_space<vmem_shared>> -> memref<80x128xf32, #tpu.memory_space<vmem_shared>>
      %dma_start3A_62 = arith.constant 0 : i32
      %dma_start3A_63 = tpu.memref_slice %arg13[%add3A_16, %dma_start3A_62] : memref<10000x128xf32, #tpu.memory_space<vmem_shared>> -> memref<80x128xf32, #tpu.memory_space<vmem_shared>>
      %dma_start3A_64 = arith.constant 0 : i32
      %dma_start3A_65 = arith.constant 0 : i32
      %dma_start3A_66 = tpu.memref_slice %arg11[%dma_start3A_64, %dma_start3A_65] : memref<80x128xf32, #tpu.memory_space<vmem>> -> memref<80x128xf32, #tpu.memory_space<vmem>>
      tpu.enqueue_dma source(%dma_start3A_66 : memref<80x128xf32, #tpu.memory_space<vmem>>) target(%dma_start3A_63 : memref<80x128xf32, #tpu.memory_space<vmem_shared>>) target_semaphore(%run_scoped3A : memref<!tpu.dma_semaphore, #tpu.memory_space<semaphore_mem>>)
      %dma_wait3A = arith.constant 0 : i32
      %dma_wait3A_67 = arith.constant 0 : i32
      %dma_wait3A_68 = tpu.memref_slice %arg11[%dma_wait3A, %dma_wait3A_67] : memref<80x128xf32, #tpu.memory_space<vmem>> -> memref<80x128xf32, #tpu.memory_space<vmem>>
      %dma_wait3A_69 = arith.constant 0 : i32
      %dma_wait3A_70 = tpu.memref_slice %arg13[%add3A_16, %dma_wait3A_69] : memref<10000x128xf32, #tpu.memory_space<vmem_shared>> -> memref<80x128xf32, #tpu.memory_space<vmem_shared>>
      %dma_wait3A_71 = arith.constant 0 : i32
      %dma_wait3A_72 = tpu.memref_slice %arg13[%add3A_16, %dma_wait3A_71] : memref<10000x128xf32, #tpu.memory_space<vmem_shared>> -> memref<80x128xf32, #tpu.memory_space<vmem_shared>>
      %dma_wait3A_73 = arith.constant 0 : i32
      %dma_wait3A_74 = arith.constant 0 : i32
      %dma_wait3A_75 = tpu.memref_slice %arg11[%dma_wait3A_73, %dma_wait3A_74] : memref<80x128xf32, #tpu.memory_space<vmem>> -> memref<80x128xf32, #tpu.memory_space<vmem>>
      tpu.wait_dma2 semaphore(%run_scoped3A : memref<!tpu.dma_semaphore, #tpu.memory_space<semaphore_mem>>) src(%dma_wait3A_75 : memref<80x128xf32, #tpu.memory_space<vmem>>) dst(%dma_wait3A_72 : memref<80x128xf32, #tpu.memory_space<vmem_shared>>)
      tpu.yield
    }) : () -> ()
    %add3A_17 = arith.constant 560 : i32
    %add3A_18 = arith.addi %multiple_of3A, %add3A_17 : i32
    "tpu.region"() ({
      %run_scoped3A = tpu.sem_alloc : memref<!tpu.dma_semaphore, #tpu.memory_space<semaphore_mem>>
      %dma_start3A = arith.constant 0 : i32
      %dma_start3A_58 = arith.constant 0 : i32
      %dma_start3A_59 = tpu.memref_slice %arg11[%dma_start3A, %dma_start3A_58] : memref<80x128xf32, #tpu.memory_space<vmem>> -> memref<64x128xf32, #tpu.memory_space<vmem>>
      %dma_start3A_60 = arith.constant 0 : i32
      %dma_start3A_61 = tpu.memref_slice %arg13[%add3A_18, %dma_start3A_60] : memref<10000x128xf32, #tpu.memory_space<vmem_shared>> -> memref<64x128xf32, #tpu.memory_space<vmem_shared>>
      %dma_start3A_62 = arith.constant 0 : i32
      %dma_start3A_63 = tpu.memref_slice %arg13[%add3A_18, %dma_start3A_62] : memref<10000x128xf32, #tpu.memory_space<vmem_shared>> -> memref<64x128xf32, #tpu.memory_space<vmem_shared>>
      %dma_start3A_64 = arith.constant 0 : i32
      %dma_start3A_65 = arith.constant 0 : i32
      %dma_start3A_66 = tpu.memref_slice %arg11[%dma_start3A_64, %dma_start3A_65] : memref<80x128xf32, #tpu.memory_space<vmem>> -> memref<64x128xf32, #tpu.memory_space<vmem>>
      tpu.enqueue_dma source(%dma_start3A_66 : memref<64x128xf32, #tpu.memory_space<vmem>>) target(%dma_start3A_63 : memref<64x128xf32, #tpu.memory_space<vmem_shared>>) target_semaphore(%run_scoped3A : memref<!tpu.dma_semaphore, #tpu.memory_space<semaphore_mem>>)
      %dma_wait3A = arith.constant 0 : i32
      %dma_wait3A_67 = arith.constant 0 : i32
      %dma_wait3A_68 = tpu.memref_slice %arg11[%dma_wait3A, %dma_wait3A_67] : memref<80x128xf32, #tpu.memory_space<vmem>> -> memref<64x128xf32, #tpu.memory_space<vmem>>
      %dma_wait3A_69 = arith.constant 0 : i32
      %dma_wait3A_70 = tpu.memref_slice %arg13[%add3A_18, %dma_wait3A_69] : memref<10000x128xf32, #tpu.memory_space<vmem_shared>> -> memref<64x128xf32, #tpu.memory_space<vmem_shared>>
      %dma_wait3A_71 = arith.constant 0 : i32
      %dma_wait3A_72 = tpu.memref_slice %arg13[%add3A_18, %dma_wait3A_71] : memref<10000x128xf32, #tpu.memory_space<vmem_shared>> -> memref<64x128xf32, #tpu.memory_space<vmem_shared>>
      %dma_wait3A_73 = arith.constant 0 : i32
      %dma_wait3A_74 = arith.constant 0 : i32
      %dma_wait3A_75 = tpu.memref_slice %arg11[%dma_wait3A_73, %dma_wait3A_74] : memref<80x128xf32, #tpu.memory_space<vmem>> -> memref<64x128xf32, #tpu.memory_space<vmem>>
      tpu.wait_dma2 semaphore(%run_scoped3A : memref<!tpu.dma_semaphore, #tpu.memory_space<semaphore_mem>>) src(%dma_wait3A_75 : memref<64x128xf32, #tpu.memory_space<vmem>>) dst(%dma_wait3A_72 : memref<64x128xf32, #tpu.memory_space<vmem_shared>>)
      tpu.yield
    }) : () -> ()
    %eq3A = arith.constant 0 : i32
    %eq3A_19 = arith.cmpi eq, %arg1, %eq3A : i32
    %convert_element_type3A = arith.extui %eq3A_19 : i1 to i32
    %cond3A = arith.constant 0 : i32
    %cond3A_20 = arith.cmpi ne, %convert_element_type3A, %cond3A : i32
    scf.if %cond3A_20 {
      "tpu.region"() ({
        %run_scoped3A = tpu.sem_alloc : memref<!tpu.dma_semaphore, #tpu.memory_space<semaphore_mem>>
        %dma_start3A = arith.constant 0 : i32
        %dma_start3A_58 = arith.constant 0 : i32
        %dma_start3A_59 = tpu.memref_slice %arg11[%dma_start3A, %dma_start3A_58] : memref<80x128xf32, #tpu.memory_space<vmem>> -> memref<16x128xf32, #tpu.memory_space<vmem>>
        %dma_start3A_60 = arith.constant 9984 : i32
        %dma_start3A_61 = arith.constant 0 : i32
        %dma_start3A_62 = tpu.memref_slice %arg13[%dma_start3A_60, %dma_start3A_61] : memref<10000x128xf32, #tpu.memory_space<vmem_shared>> -> memref<16x128xf32, #tpu.memory_space<vmem_shared>>
        %dma_start3A_63 = arith.constant 9984 : i32
        %dma_start3A_64 = arith.constant 0 : i32
        %dma_start3A_65 = tpu.memref_slice %arg13[%dma_start3A_63, %dma_start3A_64] : memref<10000x128xf32, #tpu.memory_space<vmem_shared>> -> memref<16x128xf32, #tpu.memory_space<vmem_shared>>
        %dma_start3A_66 = arith.constant 0 : i32
        %dma_start3A_67 = arith.constant 0 : i32
        %dma_start3A_68 = tpu.memref_slice %arg11[%dma_start3A_66, %dma_start3A_67] : memref<80x128xf32, #tpu.memory_space<vmem>> -> memref<16x128xf32, #tpu.memory_space<vmem>>
        tpu.enqueue_dma source(%dma_start3A_68 : memref<16x128xf32, #tpu.memory_space<vmem>>) target(%dma_start3A_65 : memref<16x128xf32, #tpu.memory_space<vmem_shared>>) target_semaphore(%run_scoped3A : memref<!tpu.dma_semaphore, #tpu.memory_space<semaphore_mem>>)
        %dma_wait3A = arith.constant 0 : i32
        %dma_wait3A_69 = arith.constant 0 : i32
        %dma_wait3A_70 = tpu.memref_slice %arg11[%dma_wait3A, %dma_wait3A_69] : memref<80x128xf32, #tpu.memory_space<vmem>> -> memref<16x128xf32, #tpu.memory_space<vmem>>
        %dma_wait3A_71 = arith.constant 9984 : i32
        %dma_wait3A_72 = arith.constant 0 : i32
        %dma_wait3A_73 = tpu.memref_slice %arg13[%dma_wait3A_71, %dma_wait3A_72] : memref<10000x128xf32, #tpu.memory_space<vmem_shared>> -> memref<16x128xf32, #tpu.memory_space<vmem_shared>>
        %dma_wait3A_74 = arith.constant 9984 : i32
        %dma_wait3A_75 = arith.constant 0 : i32
        %dma_wait3A_76 = tpu.memref_slice %arg13[%dma_wait3A_74, %dma_wait3A_75] : memref<10000x128xf32, #tpu.memory_space<vmem_shared>> -> memref<16x128xf32, #tpu.memory_space<vmem_shared>>
        %dma_wait3A_77 = arith.constant 0 : i32
        %dma_wait3A_78 = arith.constant 0 : i32
        %dma_wait3A_79 = tpu.memref_slice %arg11[%dma_wait3A_77, %dma_wait3A_78] : memref<80x128xf32, #tpu.memory_space<vmem>> -> memref<16x128xf32, #tpu.memory_space<vmem>>
        tpu.wait_dma2 semaphore(%run_scoped3A : memref<!tpu.dma_semaphore, #tpu.memory_space<semaphore_mem>>) src(%dma_wait3A_79 : memref<16x128xf32, #tpu.memory_space<vmem>>) dst(%dma_wait3A_76 : memref<16x128xf32, #tpu.memory_space<vmem_shared>>)
        tpu.yield
      }) : () -> ()
    } else {
    }
    %barrier3A = arith.constant 0 : index
    tpu.barrier barrier_id(%barrier3A)
    %mul3A_21 = arith.constant 10000 : i32
    %mul3A_22 = arith.muli %add3A, %mul3A_21 : i32
    %scan3A = arith.constant 0 : i32
    %scan3A_23 = arith.constant 0 : i32
    %scan3A_24 = arith.constant 125 : i32
    %scan3A_25 = arith.addi %scan3A_23, %scan3A_24 : i32
    %scan3A_26 = arith.constant 1 : i32
    scf.for %scan3A_58 = %scan3A_23 to %scan3A_25 step %scan3A_26  : i32 {
      %broadcast_in_dim3A = arith.constant 1.000000e+00 : f32
      %broadcast_in_dim3A_59 = vector.broadcast %broadcast_in_dim3A : f32 to vector<16xf32>
      %mul3A_60 = arith.constant 80 : i32
      %mul3A_61 = arith.muli %scan3A_58, %mul3A_60 : i32
      %add3A_62 = arith.addi %mul3A_22, %mul3A_61 : i32
      %multiple_of3A_63 = tpu.assume_multiple %add3A_62, 8 : i32
      "tpu.region"() ({
        %run_scoped3A = tpu.sem_alloc : memref<!tpu.dma_semaphore, #tpu.memory_space<semaphore_mem>>
        %dma_start3A = tpu.memref_slice %arg3[%multiple_of3A_63] : memref<320000xi32, #tpu.memory_space<hbm>> -> memref<80xi32, #tpu.memory_space<hbm>>
        %dma_start3A_73 = tpu.memref_slice %arg3[%multiple_of3A_63] : memref<320000xi32, #tpu.memory_space<hbm>> -> memref<80xi32, #tpu.memory_space<hbm>>
        tpu.enqueue_dma source(%dma_start3A_73 : memref<80xi32, #tpu.memory_space<hbm>>) target(%arg9 : memref<80xi32, #tpu.memory_space<vmem>>) target_semaphore(%run_scoped3A : memref<!tpu.dma_semaphore, #tpu.memory_space<semaphore_mem>>)
        %dma_wait3A = tpu.memref_slice %arg3[%multiple_of3A_63] : memref<320000xi32, #tpu.memory_space<hbm>> -> memref<80xi32, #tpu.memory_space<hbm>>
        %dma_wait3A_74 = tpu.memref_slice %arg3[%multiple_of3A_63] : memref<320000xi32, #tpu.memory_space<hbm>> -> memref<80xi32, #tpu.memory_space<hbm>>
        tpu.wait_dma2 semaphore(%run_scoped3A : memref<!tpu.dma_semaphore, #tpu.memory_space<semaphore_mem>>) src(%dma_wait3A_74 : memref<80xi32, #tpu.memory_space<hbm>>) dst(%arg9 : memref<80xi32, #tpu.memory_space<vmem>>)
        tpu.yield
      }) : () -> ()
      "tpu.region"() ({
        %run_scoped3A = tpu.sem_alloc : memref<!tpu.dma_semaphore, #tpu.memory_space<semaphore_mem>>
        %dma_start3A = tpu.memref_slice %arg4[%multiple_of3A_63] : memref<320000xi32, #tpu.memory_space<hbm>> -> memref<80xi32, #tpu.memory_space<hbm>>
        %dma_start3A_73 = tpu.memref_slice %arg4[%multiple_of3A_63] : memref<320000xi32, #tpu.memory_space<hbm>> -> memref<80xi32, #tpu.memory_space<hbm>>
        tpu.enqueue_dma source(%dma_start3A_73 : memref<80xi32, #tpu.memory_space<hbm>>) target(%arg10 : memref<80xi32, #tpu.memory_space<vmem>>) target_semaphore(%run_scoped3A : memref<!tpu.dma_semaphore, #tpu.memory_space<semaphore_mem>>)
        %dma_wait3A = tpu.memref_slice %arg4[%multiple_of3A_63] : memref<320000xi32, #tpu.memory_space<hbm>> -> memref<80xi32, #tpu.memory_space<hbm>>
        %dma_wait3A_74 = tpu.memref_slice %arg4[%multiple_of3A_63] : memref<320000xi32, #tpu.memory_space<hbm>> -> memref<80xi32, #tpu.memory_space<hbm>>
        tpu.wait_dma2 semaphore(%run_scoped3A : memref<!tpu.dma_semaphore, #tpu.memory_space<semaphore_mem>>) src(%dma_wait3A_74 : memref<80xi32, #tpu.memory_space<hbm>>) dst(%arg10 : memref<80xi32, #tpu.memory_space<vmem>>)
        tpu.yield
      }) : () -> ()
      "tpu.region"() ({
        %run_scoped3A = tpu.sem_alloc : memref<!tpu.dma_semaphore, #tpu.memory_space<semaphore_mem>>
        %dma_start3A = arith.constant 0 : i32
        %dma_start3A_73 = arith.constant 0 : i32
        %dma_start3A_74 = tpu.memref_slice %arg13[%dma_start3A, %dma_start3A_73] : memref<10000x128xf32, #tpu.memory_space<vmem_shared>> -> memref<10000x128xf32, #tpu.memory_space<vmem_shared>>
        tpu.enqueue_indirect_dma source(%arg11 : memref<80x128xf32, #tpu.memory_space<vmem>>) target(%dma_start3A_74 : memref<10000x128xf32, #tpu.memory_space<vmem_shared>>) offsets(%arg10 : memref<80xi32, #tpu.memory_space<vmem>>) semaphore(%run_scoped3A : memref<!tpu.dma_semaphore, #tpu.memory_space<semaphore_mem>>) {add = true}
        %dma_wait3A = arith.constant 0 : i32
        %dma_wait3A_75 = arith.constant 0 : i32
        %dma_wait3A_76 = tpu.memref_slice %arg13[%dma_wait3A, %dma_wait3A_75] : memref<10000x128xf32, #tpu.memory_space<vmem_shared>> -> memref<10000x128xf32, #tpu.memory_space<vmem_shared>>
        tpu.wait_indirect_dma semaphore(%run_scoped3A : memref<!tpu.dma_semaphore, #tpu.memory_space<semaphore_mem>>) src(%arg11 : memref<80x128xf32, #tpu.memory_space<vmem>>) dst(%dma_wait3A_76 : memref<10000x128xf32, #tpu.memory_space<vmem_shared>>)
        tpu.yield
      }) : () -> ()
      %get3A = arith.constant 0 : index
      %get3A_64 = tpu.vector_load %arg10[%get3A] {strides = array<i32>} : memref<80xi32, #tpu.memory_space<vmem>>, vector<16xi32>,
      tpu.vector_store_idx %arg12[%get3A_64], %broadcast_in_dim3A_59 {add = true} : memref<10000xf32, #tpu.memory_space<vmem>>[vector<16xi32>], vector<16xf32>,
      %get3A_65 = arith.constant 16 : index
      %get3A_66 = tpu.vector_load %arg10[%get3A_65] {strides = array<i32>} : memref<80xi32, #tpu.memory_space<vmem>>, vector<16xi32>,
      tpu.vector_store_idx %arg12[%get3A_66], %broadcast_in_dim3A_59 {add = true} : memref<10000xf32, #tpu.memory_space<vmem>>[vector<16xi32>], vector<16xf32>,
      %get3A_67 = arith.constant 32 : index
      %get3A_68 = tpu.vector_load %arg10[%get3A_67] {strides = array<i32>} : memref<80xi32, #tpu.memory_space<vmem>>, vector<16xi32>,
      tpu.vector_store_idx %arg12[%get3A_68], %broadcast_in_dim3A_59 {add = true} : memref<10000xf32, #tpu.memory_space<vmem>>[vector<16xi32>], vector<16xf32>,
      %get3A_69 = arith.constant 48 : index
      %get3A_70 = tpu.vector_load %arg10[%get3A_69] {strides = array<i32>} : memref<80xi32, #tpu.memory_space<vmem>>, vector<16xi32>,
      tpu.vector_store_idx %arg12[%get3A_70], %broadcast_in_dim3A_59 {add = true} : memref<10000xf32, #tpu.memory_space<vmem>>[vector<16xi32>], vector<16xf32>,
      %get3A_71 = arith.constant 64 : index
      %get3A_72 = tpu.vector_load %arg10[%get3A_71] {strides = array<i32>} : memref<80xi32, #tpu.memory_space<vmem>>, vector<16xi32>,
      tpu.vector_store_idx %arg12[%get3A_72], %broadcast_in_dim3A_59 {add = true} : memref<10000xf32, #tpu.memory_space<vmem>>[vector<16xi32>], vector<16xf32>,
    }
    %scan3A_27 = arith.constant 125 : i32
    %barrier3A_28 = arith.constant 0 : index
    tpu.barrier barrier_id(%barrier3A_28)
    %add3A_29 = arith.constant 0 : i32
    %add3A_30 = arith.addi %multiple_of3A, %add3A_29 : i32
    %multiple_of3A_31 = tpu.assume_multiple %add3A_30, 8 : i32
    "tpu.region"() ({
      %run_scoped3A = tpu.sem_alloc : memref<!tpu.dma_semaphore, #tpu.memory_space<semaphore_mem>>
      %dma_start3A = arith.constant 0 : i32
      %dma_start3A_58 = arith.constant 0 : i32
      %dma_start3A_59 = tpu.memref_slice %arg11[%dma_start3A, %dma_start3A_58] : memref<80x128xf32, #tpu.memory_space<vmem>> -> memref<80x128xf32, #tpu.memory_space<vmem>>
      %dma_start3A_60 = arith.constant 0 : i32
      %dma_start3A_61 = tpu.memref_slice %arg13[%multiple_of3A_31, %dma_start3A_60] : memref<10000x128xf32, #tpu.memory_space<vmem_shared>> -> memref<80x128xf32, #tpu.memory_space<vmem_shared>>
      %dma_start3A_62 = arith.constant 0 : i32
      %dma_start3A_63 = arith.constant 0 : i32
      %dma_start3A_64 = tpu.memref_slice %arg11[%dma_start3A_62, %dma_start3A_63] : memref<80x128xf32, #tpu.memory_space<vmem>> -> memref<80x128xf32, #tpu.memory_space<vmem>>
      %dma_start3A_65 = arith.constant 0 : i32
      %dma_start3A_66 = tpu.memref_slice %arg13[%multiple_of3A_31, %dma_start3A_65] : memref<10000x128xf32, #tpu.memory_space<vmem_shared>> -> memref<80x128xf32, #tpu.memory_space<vmem_shared>>
      tpu.enqueue_dma source(%dma_start3A_66 : memref<80x128xf32, #tpu.memory_space<vmem_shared>>) target(%dma_start3A_64 : memref<80x128xf32, #tpu.memory_space<vmem>>) target_semaphore(%run_scoped3A : memref<!tpu.dma_semaphore, #tpu.memory_space<semaphore_mem>>)
      %dma_wait3A = arith.constant 0 : i32
      %dma_wait3A_67 = arith.constant 0 : i32
      %dma_wait3A_68 = tpu.memref_slice %arg11[%dma_wait3A, %dma_wait3A_67] : memref<80x128xf32, #tpu.memory_space<vmem>> -> memref<80x128xf32, #tpu.memory_space<vmem>>
      %dma_wait3A_69 = arith.constant 0 : i32
      %dma_wait3A_70 = tpu.memref_slice %arg13[%multiple_of3A_31, %dma_wait3A_69] : memref<10000x128xf32, #tpu.memory_space<vmem_shared>> -> memref<80x128xf32, #tpu.memory_space<vmem_shared>>
      %dma_wait3A_71 = arith.constant 0 : i32
      %dma_wait3A_72 = arith.constant 0 : i32
      %dma_wait3A_73 = tpu.memref_slice %arg11[%dma_wait3A_71, %dma_wait3A_72] : memref<80x128xf32, #tpu.memory_space<vmem>> -> memref<80x128xf32, #tpu.memory_space<vmem>>
      %dma_wait3A_74 = arith.constant 0 : i32
      %dma_wait3A_75 = tpu.memref_slice %arg13[%multiple_of3A_31, %dma_wait3A_74] : memref<10000x128xf32, #tpu.memory_space<vmem_shared>> -> memref<80x128xf32, #tpu.memory_space<vmem_shared>>
      tpu.wait_dma2 semaphore(%run_scoped3A : memref<!tpu.dma_semaphore, #tpu.memory_space<semaphore_mem>>) src(%dma_wait3A_75 : memref<80x128xf32, #tpu.memory_space<vmem_shared>>) dst(%dma_wait3A_73 : memref<80x128xf32, #tpu.memory_space<vmem>>)
      tpu.yield
    }) : () -> ()
    "tpu.region"() ({
      %run_scoped3A = tpu.sem_alloc : memref<!tpu.dma_semaphore, #tpu.memory_space<semaphore_mem>>
      %dma_start3A = arith.constant 0 : i32
      %dma_start3A_58 = arith.constant 0 : i32
      %dma_start3A_59 = tpu.memref_slice %arg11[%dma_start3A, %dma_start3A_58] : memref<80x128xf32, #tpu.memory_space<vmem>> -> memref<80x128xf32, #tpu.memory_space<vmem>>
      %dma_start3A_60 = arith.constant 0 : i32
      %dma_start3A_61 = tpu.memref_slice %arg7[%arg0, %multiple_of3A_31, %dma_start3A_60] : memref<2x10000x128xf32, #tpu.memory_space<hbm>> -> memref<1x80x128xf32, #tpu.memory_space<hbm>>
      %dma_start3A_62 = tpu.memref_squeeze %dma_start3A_61 : memref<1x80x128xf32, #tpu.memory_space<hbm>> -> memref<80x128xf32, #tpu.memory_space<hbm>>
      %dma_start3A_63 = arith.constant 0 : i32
      %dma_start3A_64 = tpu.memref_slice %arg7[%arg0, %multiple_of3A_31, %dma_start3A_63] : memref<2x10000x128xf32, #tpu.memory_space<hbm>> -> memref<1x80x128xf32, #tpu.memory_space<hbm>>
      %dma_start3A_65 = tpu.memref_squeeze %dma_start3A_64 : memref<1x80x128xf32, #tpu.memory_space<hbm>> -> memref<80x128xf32, #tpu.memory_space<hbm>>
      %dma_start3A_66 = arith.constant 0 : i32
      %dma_start3A_67 = arith.constant 0 : i32
      %dma_start3A_68 = tpu.memref_slice %arg11[%dma_start3A_66, %dma_start3A_67] : memref<80x128xf32, #tpu.memory_space<vmem>> -> memref<80x128xf32, #tpu.memory_space<vmem>>
      tpu.enqueue_dma source(%dma_start3A_68 : memref<80x128xf32, #tpu.memory_space<vmem>>) target(%dma_start3A_65 : memref<80x128xf32, #tpu.memory_space<hbm>>) target_semaphore(%run_scoped3A : memref<!tpu.dma_semaphore, #tpu.memory_space<semaphore_mem>>)
      %dma_wait3A = arith.constant 0 : i32
      %dma_wait3A_69 = arith.constant 0 : i32
      %dma_wait3A_70 = tpu.memref_slice %arg11[%dma_wait3A, %dma_wait3A_69] : memref<80x128xf32, #tpu.memory_space<vmem>> -> memref<80x128xf32, #tpu.memory_space<vmem>>
      %dma_wait3A_71 = arith.constant 0 : i32
      %dma_wait3A_72 = tpu.memref_slice %arg7[%arg0, %multiple_of3A_31, %dma_wait3A_71] : memref<2x10000x128xf32, #tpu.memory_space<hbm>> -> memref<1x80x128xf32, #tpu.memory_space<hbm>>
      %dma_wait3A_73 = tpu.memref_squeeze %dma_wait3A_72 : memref<1x80x128xf32, #tpu.memory_space<hbm>> -> memref<80x128xf32, #tpu.memory_space<hbm>>
      %dma_wait3A_74 = arith.constant 0 : i32
      %dma_wait3A_75 = tpu.memref_slice %arg7[%arg0, %multiple_of3A_31, %dma_wait3A_74] : memref<2x10000x128xf32, #tpu.memory_space<hbm>> -> memref<1x80x128xf32, #tpu.memory_space<hbm>>
      %dma_wait3A_76 = tpu.memref_squeeze %dma_wait3A_75 : memref<1x80x128xf32, #tpu.memory_space<hbm>> -> memref<80x128xf32, #tpu.memory_space<hbm>>
      %dma_wait3A_77 = arith.constant 0 : i32
      %dma_wait3A_78 = arith.constant 0 : i32
      %dma_wait3A_79 = tpu.memref_slice %arg11[%dma_wait3A_77, %dma_wait3A_78] : memref<80x128xf32, #tpu.memory_space<vmem>> -> memref<80x128xf32, #tpu.memory_space<vmem>>
      tpu.wait_dma2 semaphore(%run_scoped3A : memref<!tpu.dma_semaphore, #tpu.memory_space<semaphore_mem>>) src(%dma_wait3A_79 : memref<80x128xf32, #tpu.memory_space<vmem>>) dst(%dma_wait3A_76 : memref<80x128xf32, #tpu.memory_space<hbm>>)
      tpu.yield
    }) : () -> ()
    %add3A_32 = arith.constant 80 : i32
    %add3A_33 = arith.addi %multiple_of3A, %add3A_32 : i32
    %multiple_of3A_34 = tpu.assume_multiple %add3A_33, 8 : i32
    "tpu.region"() ({
      %run_scoped3A = tpu.sem_alloc : memref<!tpu.dma_semaphore, #tpu.memory_space<semaphore_mem>>
      %dma_start3A = arith.constant 0 : i32
      %dma_start3A_58 = arith.constant 0 : i32
      %dma_start3A_59 = tpu.memref_slice %arg11[%dma_start3A, %dma_start3A_58] : memref<80x128xf32, #tpu.memory_space<vmem>> -> memref<80x128xf32, #tpu.memory_space<vmem>>
      %dma_start3A_60 = arith.constant 0 : i32
      %dma_start3A_61 = tpu.memref_slice %arg13[%multiple_of3A_34, %dma_start3A_60] : memref<10000x128xf32, #tpu.memory_space<vmem_shared>> -> memref<80x128xf32, #tpu.memory_space<vmem_shared>>
      %dma_start3A_62 = arith.constant 0 : i32
      %dma_start3A_63 = arith.constant 0 : i32
      %dma_start3A_64 = tpu.memref_slice %arg11[%dma_start3A_62, %dma_start3A_63] : memref<80x128xf32, #tpu.memory_space<vmem>> -> memref<80x128xf32, #tpu.memory_space<vmem>>
      %dma_start3A_65 = arith.constant 0 : i32
      %dma_start3A_66 = tpu.memref_slice %arg13[%multiple_of3A_34, %dma_start3A_65] : memref<10000x128xf32, #tpu.memory_space<vmem_shared>> -> memref<80x128xf32, #tpu.memory_space<vmem_shared>>
      tpu.enqueue_dma source(%dma_start3A_66 : memref<80x128xf32, #tpu.memory_space<vmem_shared>>) target(%dma_start3A_64 : memref<80x128xf32, #tpu.memory_space<vmem>>) target_semaphore(%run_scoped3A : memref<!tpu.dma_semaphore, #tpu.memory_space<semaphore_mem>>)
      %dma_wait3A = arith.constant 0 : i32
      %dma_wait3A_67 = arith.constant 0 : i32
      %dma_wait3A_68 = tpu.memref_slice %arg11[%dma_wait3A, %dma_wait3A_67] : memref<80x128xf32, #tpu.memory_space<vmem>> -> memref<80x128xf32, #tpu.memory_space<vmem>>
      %dma_wait3A_69 = arith.constant 0 : i32
      %dma_wait3A_70 = tpu.memref_slice %arg13[%multiple_of3A_34, %dma_wait3A_69] : memref<10000x128xf32, #tpu.memory_space<vmem_shared>> -> memref<80x128xf32, #tpu.memory_space<vmem_shared>>
      %dma_wait3A_71 = arith.constant 0 : i32
      %dma_wait3A_72 = arith.constant 0 : i32
      %dma_wait3A_73 = tpu.memref_slice %arg11[%dma_wait3A_71, %dma_wait3A_72] : memref<80x128xf32, #tpu.memory_space<vmem>> -> memref<80x128xf32, #tpu.memory_space<vmem>>
      %dma_wait3A_74 = arith.constant 0 : i32
      %dma_wait3A_75 = tpu.memref_slice %arg13[%multiple_of3A_34, %dma_wait3A_74] : memref<10000x128xf32, #tpu.memory_space<vmem_shared>> -> memref<80x128xf32, #tpu.memory_space<vmem_shared>>
      tpu.wait_dma2 semaphore(%run_scoped3A : memref<!tpu.dma_semaphore, #tpu.memory_space<semaphore_mem>>) src(%dma_wait3A_75 : memref<80x128xf32, #tpu.memory_space<vmem_shared>>) dst(%dma_wait3A_73 : memref<80x128xf32, #tpu.memory_space<vmem>>)
      tpu.yield
    }) : () -> ()
    "tpu.region"() ({
      %run_scoped3A = tpu.sem_alloc : memref<!tpu.dma_semaphore, #tpu.memory_space<semaphore_mem>>
      %dma_start3A = arith.constant 0 : i32
      %dma_start3A_58 = arith.constant 0 : i32
      %dma_start3A_59 = tpu.memref_slice %arg11[%dma_start3A, %dma_start3A_58] : memref<80x128xf32, #tpu.memory_space<vmem>> -> memref<80x128xf32, #tpu.memory_space<vmem>>
      %dma_start3A_60 = arith.constant 0 : i32
      %dma_start3A_61 = tpu.memref_slice %arg7[%arg0, %multiple_of3A_34, %dma_start3A_60] : memref<2x10000x128xf32, #tpu.memory_space<hbm>> -> memref<1x80x128xf32, #tpu.memory_space<hbm>>
      %dma_start3A_62 = tpu.memref_squeeze %dma_start3A_61 : memref<1x80x128xf32, #tpu.memory_space<hbm>> -> memref<80x128xf32, #tpu.memory_space<hbm>>
      %dma_start3A_63 = arith.constant 0 : i32
      %dma_start3A_64 = tpu.memref_slice %arg7[%arg0, %multiple_of3A_34, %dma_start3A_63] : memref<2x10000x128xf32, #tpu.memory_space<hbm>> -> memref<1x80x128xf32, #tpu.memory_space<hbm>>
      %dma_start3A_65 = tpu.memref_squeeze %dma_start3A_64 : memref<1x80x128xf32, #tpu.memory_space<hbm>> -> memref<80x128xf32, #tpu.memory_space<hbm>>
      %dma_start3A_66 = arith.constant 0 : i32
      %dma_start3A_67 = arith.constant 0 : i32
      %dma_start3A_68 = tpu.memref_slice %arg11[%dma_start3A_66, %dma_start3A_67] : memref<80x128xf32, #tpu.memory_space<vmem>> -> memref<80x128xf32, #tpu.memory_space<vmem>>
      tpu.enqueue_dma source(%dma_start3A_68 : memref<80x128xf32, #tpu.memory_space<vmem>>) target(%dma_start3A_65 : memref<80x128xf32, #tpu.memory_space<hbm>>) target_semaphore(%run_scoped3A : memref<!tpu.dma_semaphore, #tpu.memory_space<semaphore_mem>>)
      %dma_wait3A = arith.constant 0 : i32
      %dma_wait3A_69 = arith.constant 0 : i32
      %dma_wait3A_70 = tpu.memref_slice %arg11[%dma_wait3A, %dma_wait3A_69] : memref<80x128xf32, #tpu.memory_space<vmem>> -> memref<80x128xf32, #tpu.memory_space<vmem>>
      %dma_wait3A_71 = arith.constant 0 : i32
      %dma_wait3A_72 = tpu.memref_slice %arg7[%arg0, %multiple_of3A_34, %dma_wait3A_71] : memref<2x10000x128xf32, #tpu.memory_space<hbm>> -> memref<1x80x128xf32, #tpu.memory_space<hbm>>
      %dma_wait3A_73 = tpu.memref_squeeze %dma_wait3A_72 : memref<1x80x128xf32, #tpu.memory_space<hbm>> -> memref<80x128xf32, #tpu.memory_space<hbm>>
      %dma_wait3A_74 = arith.constant 0 : i32
      %dma_wait3A_75 = tpu.memref_slice %arg7[%arg0, %multiple_of3A_34, %dma_wait3A_74] : memref<2x10000x128xf32, #tpu.memory_space<hbm>> -> memref<1x80x128xf32, #tpu.memory_space<hbm>>
      %dma_wait3A_76 = tpu.memref_squeeze %dma_wait3A_75 : memref<1x80x128xf32, #tpu.memory_space<hbm>> -> memref<80x128xf32, #tpu.memory_space<hbm>>
      %dma_wait3A_77 = arith.constant 0 : i32
      %dma_wait3A_78 = arith.constant 0 : i32
      %dma_wait3A_79 = tpu.memref_slice %arg11[%dma_wait3A_77, %dma_wait3A_78] : memref<80x128xf32, #tpu.memory_space<vmem>> -> memref<80x128xf32, #tpu.memory_space<vmem>>
      tpu.wait_dma2 semaphore(%run_scoped3A : memref<!tpu.dma_semaphore, #tpu.memory_space<semaphore_mem>>) src(%dma_wait3A_79 : memref<80x128xf32, #tpu.memory_space<vmem>>) dst(%dma_wait3A_76 : memref<80x128xf32, #tpu.memory_space<hbm>>)
      tpu.yield
    }) : () -> ()
    %add3A_35 = arith.constant 160 : i32
    %add3A_36 = arith.addi %multiple_of3A, %add3A_35 : i32
    %multiple_of3A_37 = tpu.assume_multiple %add3A_36, 8 : i32
    "tpu.region"() ({
      %run_scoped3A = tpu.sem_alloc : memref<!tpu.dma_semaphore, #tpu.memory_space<semaphore_mem>>
      %dma_start3A = arith.constant 0 : i32
      %dma_start3A_58 = arith.constant 0 : i32
      %dma_start3A_59 = tpu.memref_slice %arg11[%dma_start3A, %dma_start3A_58] : memref<80x128xf32, #tpu.memory_space<vmem>> -> memref<80x128xf32, #tpu.memory_space<vmem>>
      %dma_start3A_60 = arith.constant 0 : i32
      %dma_start3A_61 = tpu.memref_slice %arg13[%multiple_of3A_37, %dma_start3A_60] : memref<10000x128xf32, #tpu.memory_space<vmem_shared>> -> memref<80x128xf32, #tpu.memory_space<vmem_shared>>
      %dma_start3A_62 = arith.constant 0 : i32
      %dma_start3A_63 = arith.constant 0 : i32
      %dma_start3A_64 = tpu.memref_slice %arg11[%dma_start3A_62, %dma_start3A_63] : memref<80x128xf32, #tpu.memory_space<vmem>> -> memref<80x128xf32, #tpu.memory_space<vmem>>
      %dma_start3A_65 = arith.constant 0 : i32
      %dma_start3A_66 = tpu.memref_slice %arg13[%multiple_of3A_37, %dma_start3A_65] : memref<10000x128xf32, #tpu.memory_space<vmem_shared>> -> memref<80x128xf32, #tpu.memory_space<vmem_shared>>
      tpu.enqueue_dma source(%dma_start3A_66 : memref<80x128xf32, #tpu.memory_space<vmem_shared>>) target(%dma_start3A_64 : memref<80x128xf32, #tpu.memory_space<vmem>>) target_semaphore(%run_scoped3A : memref<!tpu.dma_semaphore, #tpu.memory_space<semaphore_mem>>)
      %dma_wait3A = arith.constant 0 : i32
      %dma_wait3A_67 = arith.constant 0 : i32
      %dma_wait3A_68 = tpu.memref_slice %arg11[%dma_wait3A, %dma_wait3A_67] : memref<80x128xf32, #tpu.memory_space<vmem>> -> memref<80x128xf32, #tpu.memory_space<vmem>>
      %dma_wait3A_69 = arith.constant 0 : i32
      %dma_wait3A_70 = tpu.memref_slice %arg13[%multiple_of3A_37, %dma_wait3A_69] : memref<10000x128xf32, #tpu.memory_space<vmem_shared>> -> memref<80x128xf32, #tpu.memory_space<vmem_shared>>
      %dma_wait3A_71 = arith.constant 0 : i32
      %dma_wait3A_72 = arith.constant 0 : i32
      %dma_wait3A_73 = tpu.memref_slice %arg11[%dma_wait3A_71, %dma_wait3A_72] : memref<80x128xf32, #tpu.memory_space<vmem>> -> memref<80x128xf32, #tpu.memory_space<vmem>>
      %dma_wait3A_74 = arith.constant 0 : i32
      %dma_wait3A_75 = tpu.memref_slice %arg13[%multiple_of3A_37, %dma_wait3A_74] : memref<10000x128xf32, #tpu.memory_space<vmem_shared>> -> memref<80x128xf32, #tpu.memory_space<vmem_shared>>
      tpu.wait_dma2 semaphore(%run_scoped3A : memref<!tpu.dma_semaphore, #tpu.memory_space<semaphore_mem>>) src(%dma_wait3A_75 : memref<80x128xf32, #tpu.memory_space<vmem_shared>>) dst(%dma_wait3A_73 : memref<80x128xf32, #tpu.memory_space<vmem>>)
      tpu.yield
    }) : () -> ()
    "tpu.region"() ({
      %run_scoped3A = tpu.sem_alloc : memref<!tpu.dma_semaphore, #tpu.memory_space<semaphore_mem>>
      %dma_start3A = arith.constant 0 : i32
      %dma_start3A_58 = arith.constant 0 : i32
      %dma_start3A_59 = tpu.memref_slice %arg11[%dma_start3A, %dma_start3A_58] : memref<80x128xf32, #tpu.memory_space<vmem>> -> memref<80x128xf32, #tpu.memory_space<vmem>>
      %dma_start3A_60 = arith.constant 0 : i32
      %dma_start3A_61 = tpu.memref_slice %arg7[%arg0, %multiple_of3A_37, %dma_start3A_60] : memref<2x10000x128xf32, #tpu.memory_space<hbm>> -> memref<1x80x128xf32, #tpu.memory_space<hbm>>
      %dma_start3A_62 = tpu.memref_squeeze %dma_start3A_61 : memref<1x80x128xf32, #tpu.memory_space<hbm>> -> memref<80x128xf32, #tpu.memory_space<hbm>>
      %dma_start3A_63 = arith.constant 0 : i32
      %dma_start3A_64 = tpu.memref_slice %arg7[%arg0, %multiple_of3A_37, %dma_start3A_63] : memref<2x10000x128xf32, #tpu.memory_space<hbm>> -> memref<1x80x128xf32, #tpu.memory_space<hbm>>
      %dma_start3A_65 = tpu.memref_squeeze %dma_start3A_64 : memref<1x80x128xf32, #tpu.memory_space<hbm>> -> memref<80x128xf32, #tpu.memory_space<hbm>>
      %dma_start3A_66 = arith.constant 0 : i32
      %dma_start3A_67 = arith.constant 0 : i32
      %dma_start3A_68 = tpu.memref_slice %arg11[%dma_start3A_66, %dma_start3A_67] : memref<80x128xf32, #tpu.memory_space<vmem>> -> memref<80x128xf32, #tpu.memory_space<vmem>>
      tpu.enqueue_dma source(%dma_start3A_68 : memref<80x128xf32, #tpu.memory_space<vmem>>) target(%dma_start3A_65 : memref<80x128xf32, #tpu.memory_space<hbm>>) target_semaphore(%run_scoped3A : memref<!tpu.dma_semaphore, #tpu.memory_space<semaphore_mem>>)
      %dma_wait3A = arith.constant 0 : i32
      %dma_wait3A_69 = arith.constant 0 : i32
      %dma_wait3A_70 = tpu.memref_slice %arg11[%dma_wait3A, %dma_wait3A_69] : memref<80x128xf32, #tpu.memory_space<vmem>> -> memref<80x128xf32, #tpu.memory_space<vmem>>
      %dma_wait3A_71 = arith.constant 0 : i32
      %dma_wait3A_72 = tpu.memref_slice %arg7[%arg0, %multiple_of3A_37, %dma_wait3A_71] : memref<2x10000x128xf32, #tpu.memory_space<hbm>> -> memref<1x80x128xf32, #tpu.memory_space<hbm>>
      %dma_wait3A_73 = tpu.memref_squeeze %dma_wait3A_72 : memref<1x80x128xf32, #tpu.memory_space<hbm>> -> memref<80x128xf32, #tpu.memory_space<hbm>>
      %dma_wait3A_74 = arith.constant 0 : i32
      %dma_wait3A_75 = tpu.memref_slice %arg7[%arg0, %multiple_of3A_37, %dma_wait3A_74] : memref<2x10000x128xf32, #tpu.memory_space<hbm>> -> memref<1x80x128xf32, #tpu.memory_space<hbm>>
      %dma_wait3A_76 = tpu.memref_squeeze %dma_wait3A_75 : memref<1x80x128xf32, #tpu.memory_space<hbm>> -> memref<80x128xf32, #tpu.memory_space<hbm>>
      %dma_wait3A_77 = arith.constant 0 : i32
      %dma_wait3A_78 = arith.constant 0 : i32
      %dma_wait3A_79 = tpu.memref_slice %arg11[%dma_wait3A_77, %dma_wait3A_78] : memref<80x128xf32, #tpu.memory_space<vmem>> -> memref<80x128xf32, #tpu.memory_space<vmem>>
      tpu.wait_dma2 semaphore(%run_scoped3A : memref<!tpu.dma_semaphore, #tpu.memory_space<semaphore_mem>>) src(%dma_wait3A_79 : memref<80x128xf32, #tpu.memory_space<vmem>>) dst(%dma_wait3A_76 : memref<80x128xf32, #tpu.memory_space<hbm>>)
      tpu.yield
    }) : () -> ()
    %add3A_38 = arith.constant 240 : i32
    %add3A_39 = arith.addi %multiple_of3A, %add3A_38 : i32
    %multiple_of3A_40 = tpu.assume_multiple %add3A_39, 8 : i32
    "tpu.region"() ({
      %run_scoped3A = tpu.sem_alloc : memref<!tpu.dma_semaphore, #tpu.memory_space<semaphore_mem>>
      %dma_start3A = arith.constant 0 : i32
      %dma_start3A_58 = arith.constant 0 : i32
      %dma_start3A_59 = tpu.memref_slice %arg11[%dma_start3A, %dma_start3A_58] : memref<80x128xf32, #tpu.memory_space<vmem>> -> memref<80x128xf32, #tpu.memory_space<vmem>>
      %dma_start3A_60 = arith.constant 0 : i32
      %dma_start3A_61 = tpu.memref_slice %arg13[%multiple_of3A_40, %dma_start3A_60] : memref<10000x128xf32, #tpu.memory_space<vmem_shared>> -> memref<80x128xf32, #tpu.memory_space<vmem_shared>>
      %dma_start3A_62 = arith.constant 0 : i32
      %dma_start3A_63 = arith.constant 0 : i32
      %dma_start3A_64 = tpu.memref_slice %arg11[%dma_start3A_62, %dma_start3A_63] : memref<80x128xf32, #tpu.memory_space<vmem>> -> memref<80x128xf32, #tpu.memory_space<vmem>>
      %dma_start3A_65 = arith.constant 0 : i32
      %dma_start3A_66 = tpu.memref_slice %arg13[%multiple_of3A_40, %dma_start3A_65] : memref<10000x128xf32, #tpu.memory_space<vmem_shared>> -> memref<80x128xf32, #tpu.memory_space<vmem_shared>>
      tpu.enqueue_dma source(%dma_start3A_66 : memref<80x128xf32, #tpu.memory_space<vmem_shared>>) target(%dma_start3A_64 : memref<80x128xf32, #tpu.memory_space<vmem>>) target_semaphore(%run_scoped3A : memref<!tpu.dma_semaphore, #tpu.memory_space<semaphore_mem>>)
      %dma_wait3A = arith.constant 0 : i32
      %dma_wait3A_67 = arith.constant 0 : i32
      %dma_wait3A_68 = tpu.memref_slice %arg11[%dma_wait3A, %dma_wait3A_67] : memref<80x128xf32, #tpu.memory_space<vmem>> -> memref<80x128xf32, #tpu.memory_space<vmem>>
      %dma_wait3A_69 = arith.constant 0 : i32
      %dma_wait3A_70 = tpu.memref_slice %arg13[%multiple_of3A_40, %dma_wait3A_69] : memref<10000x128xf32, #tpu.memory_space<vmem_shared>> -> memref<80x128xf32, #tpu.memory_space<vmem_shared>>
      %dma_wait3A_71 = arith.constant 0 : i32
      %dma_wait3A_72 = arith.constant 0 : i32
      %dma_wait3A_73 = tpu.memref_slice %arg11[%dma_wait3A_71, %dma_wait3A_72] : memref<80x128xf32, #tpu.memory_space<vmem>> -> memref<80x128xf32, #tpu.memory_space<vmem>>
      %dma_wait3A_74 = arith.constant 0 : i32
      %dma_wait3A_75 = tpu.memref_slice %arg13[%multiple_of3A_40, %dma_wait3A_74] : memref<10000x128xf32, #tpu.memory_space<vmem_shared>> -> memref<80x128xf32, #tpu.memory_space<vmem_shared>>
      tpu.wait_dma2 semaphore(%run_scoped3A : memref<!tpu.dma_semaphore, #tpu.memory_space<semaphore_mem>>) src(%dma_wait3A_75 : memref<80x128xf32, #tpu.memory_space<vmem_shared>>) dst(%dma_wait3A_73 : memref<80x128xf32, #tpu.memory_space<vmem>>)
      tpu.yield
    }) : () -> ()
    "tpu.region"() ({
      %run_scoped3A = tpu.sem_alloc : memref<!tpu.dma_semaphore, #tpu.memory_space<semaphore_mem>>
      %dma_start3A = arith.constant 0 : i32
      %dma_start3A_58 = arith.constant 0 : i32
      %dma_start3A_59 = tpu.memref_slice %arg11[%dma_start3A, %dma_start3A_58] : memref<80x128xf32, #tpu.memory_space<vmem>> -> memref<80x128xf32, #tpu.memory_space<vmem>>
      %dma_start3A_60 = arith.constant 0 : i32
      %dma_start3A_61 = tpu.memref_slice %arg7[%arg0, %multiple_of3A_40, %dma_start3A_60] : memref<2x10000x128xf32, #tpu.memory_space<hbm>> -> memref<1x80x128xf32, #tpu.memory_space<hbm>>
      %dma_start3A_62 = tpu.memref_squeeze %dma_start3A_61 : memref<1x80x128xf32, #tpu.memory_space<hbm>> -> memref<80x128xf32, #tpu.memory_space<hbm>>
      %dma_start3A_63 = arith.constant 0 : i32
      %dma_start3A_64 = tpu.memref_slice %arg7[%arg0, %multiple_of3A_40, %dma_start3A_63] : memref<2x10000x128xf32, #tpu.memory_space<hbm>> -> memref<1x80x128xf32, #tpu.memory_space<hbm>>
      %dma_start3A_65 = tpu.memref_squeeze %dma_start3A_64 : memref<1x80x128xf32, #tpu.memory_space<hbm>> -> memref<80x128xf32, #tpu.memory_space<hbm>>
      %dma_start3A_66 = arith.constant 0 : i32
      %dma_start3A_67 = arith.constant 0 : i32
      %dma_start3A_68 = tpu.memref_slice %arg11[%dma_start3A_66, %dma_start3A_67] : memref<80x128xf32, #tpu.memory_space<vmem>> -> memref<80x128xf32, #tpu.memory_space<vmem>>
      tpu.enqueue_dma source(%dma_start3A_68 : memref<80x128xf32, #tpu.memory_space<vmem>>) target(%dma_start3A_65 : memref<80x128xf32, #tpu.memory_space<hbm>>) target_semaphore(%run_scoped3A : memref<!tpu.dma_semaphore, #tpu.memory_space<semaphore_mem>>)
      %dma_wait3A = arith.constant 0 : i32
      %dma_wait3A_69 = arith.constant 0 : i32
      %dma_wait3A_70 = tpu.memref_slice %arg11[%dma_wait3A, %dma_wait3A_69] : memref<80x128xf32, #tpu.memory_space<vmem>> -> memref<80x128xf32, #tpu.memory_space<vmem>>
      %dma_wait3A_71 = arith.constant 0 : i32
      %dma_wait3A_72 = tpu.memref_slice %arg7[%arg0, %multiple_of3A_40, %dma_wait3A_71] : memref<2x10000x128xf32, #tpu.memory_space<hbm>> -> memref<1x80x128xf32, #tpu.memory_space<hbm>>
      %dma_wait3A_73 = tpu.memref_squeeze %dma_wait3A_72 : memref<1x80x128xf32, #tpu.memory_space<hbm>> -> memref<80x128xf32, #tpu.memory_space<hbm>>
      %dma_wait3A_74 = arith.constant 0 : i32
      %dma_wait3A_75 = tpu.memref_slice %arg7[%arg0, %multiple_of3A_40, %dma_wait3A_74] : memref<2x10000x128xf32, #tpu.memory_space<hbm>> -> memref<1x80x128xf32, #tpu.memory_space<hbm>>
      %dma_wait3A_76 = tpu.memref_squeeze %dma_wait3A_75 : memref<1x80x128xf32, #tpu.memory_space<hbm>> -> memref<80x128xf32, #tpu.memory_space<hbm>>
      %dma_wait3A_77 = arith.constant 0 : i32
      %dma_wait3A_78 = arith.constant 0 : i32
      %dma_wait3A_79 = tpu.memref_slice %arg11[%dma_wait3A_77, %dma_wait3A_78] : memref<80x128xf32, #tpu.memory_space<vmem>> -> memref<80x128xf32, #tpu.memory_space<vmem>>
      tpu.wait_dma2 semaphore(%run_scoped3A : memref<!tpu.dma_semaphore, #tpu.memory_space<semaphore_mem>>) src(%dma_wait3A_79 : memref<80x128xf32, #tpu.memory_space<vmem>>) dst(%dma_wait3A_76 : memref<80x128xf32, #tpu.memory_space<hbm>>)
      tpu.yield
    }) : () -> ()
    %add3A_41 = arith.constant 320 : i32
    %add3A_42 = arith.addi %multiple_of3A, %add3A_41 : i32
    %multiple_of3A_43 = tpu.assume_multiple %add3A_42, 8 : i32
    "tpu.region"() ({
      %run_scoped3A = tpu.sem_alloc : memref<!tpu.dma_semaphore, #tpu.memory_space<semaphore_mem>>
      %dma_start3A = arith.constant 0 : i32
      %dma_start3A_58 = arith.constant 0 : i32
      %dma_start3A_59 = tpu.memref_slice %arg11[%dma_start3A, %dma_start3A_58] : memref<80x128xf32, #tpu.memory_space<vmem>> -> memref<80x128xf32, #tpu.memory_space<vmem>>
      %dma_start3A_60 = arith.constant 0 : i32
      %dma_start3A_61 = tpu.memref_slice %arg13[%multiple_of3A_43, %dma_start3A_60] : memref<10000x128xf32, #tpu.memory_space<vmem_shared>> -> memref<80x128xf32, #tpu.memory_space<vmem_shared>>
      %dma_start3A_62 = arith.constant 0 : i32
      %dma_start3A_63 = arith.constant 0 : i32
      %dma_start3A_64 = tpu.memref_slice %arg11[%dma_start3A_62, %dma_start3A_63] : memref<80x128xf32, #tpu.memory_space<vmem>> -> memref<80x128xf32, #tpu.memory_space<vmem>>
      %dma_start3A_65 = arith.constant 0 : i32
      %dma_start3A_66 = tpu.memref_slice %arg13[%multiple_of3A_43, %dma_start3A_65] : memref<10000x128xf32, #tpu.memory_space<vmem_shared>> -> memref<80x128xf32, #tpu.memory_space<vmem_shared>>
      tpu.enqueue_dma source(%dma_start3A_66 : memref<80x128xf32, #tpu.memory_space<vmem_shared>>) target(%dma_start3A_64 : memref<80x128xf32, #tpu.memory_space<vmem>>) target_semaphore(%run_scoped3A : memref<!tpu.dma_semaphore, #tpu.memory_space<semaphore_mem>>)
      %dma_wait3A = arith.constant 0 : i32
      %dma_wait3A_67 = arith.constant 0 : i32
      %dma_wait3A_68 = tpu.memref_slice %arg11[%dma_wait3A, %dma_wait3A_67] : memref<80x128xf32, #tpu.memory_space<vmem>> -> memref<80x128xf32, #tpu.memory_space<vmem>>
      %dma_wait3A_69 = arith.constant 0 : i32
      %dma_wait3A_70 = tpu.memref_slice %arg13[%multiple_of3A_43, %dma_wait3A_69] : memref<10000x128xf32, #tpu.memory_space<vmem_shared>> -> memref<80x128xf32, #tpu.memory_space<vmem_shared>>
      %dma_wait3A_71 = arith.constant 0 : i32
      %dma_wait3A_72 = arith.constant 0 : i32
      %dma_wait3A_73 = tpu.memref_slice %arg11[%dma_wait3A_71, %dma_wait3A_72] : memref<80x128xf32, #tpu.memory_space<vmem>> -> memref<80x128xf32, #tpu.memory_space<vmem>>
      %dma_wait3A_74 = arith.constant 0 : i32
      %dma_wait3A_75 = tpu.memref_slice %arg13[%multiple_of3A_43, %dma_wait3A_74] : memref<10000x128xf32, #tpu.memory_space<vmem_shared>> -> memref<80x128xf32, #tpu.memory_space<vmem_shared>>
      tpu.wait_dma2 semaphore(%run_scoped3A : memref<!tpu.dma_semaphore, #tpu.memory_space<semaphore_mem>>) src(%dma_wait3A_75 : memref<80x128xf32, #tpu.memory_space<vmem_shared>>) dst(%dma_wait3A_73 : memref<80x128xf32, #tpu.memory_space<vmem>>)
      tpu.yield
    }) : () -> ()
    "tpu.region"() ({
      %run_scoped3A = tpu.sem_alloc : memref<!tpu.dma_semaphore, #tpu.memory_space<semaphore_mem>>
      %dma_start3A = arith.constant 0 : i32
      %dma_start3A_58 = arith.constant 0 : i32
      %dma_start3A_59 = tpu.memref_slice %arg11[%dma_start3A, %dma_start3A_58] : memref<80x128xf32, #tpu.memory_space<vmem>> -> memref<80x128xf32, #tpu.memory_space<vmem>>
      %dma_start3A_60 = arith.constant 0 : i32
      %dma_start3A_61 = tpu.memref_slice %arg7[%arg0, %multiple_of3A_43, %dma_start3A_60] : memref<2x10000x128xf32, #tpu.memory_space<hbm>> -> memref<1x80x128xf32, #tpu.memory_space<hbm>>
      %dma_start3A_62 = tpu.memref_squeeze %dma_start3A_61 : memref<1x80x128xf32, #tpu.memory_space<hbm>> -> memref<80x128xf32, #tpu.memory_space<hbm>>
      %dma_start3A_63 = arith.constant 0 : i32
      %dma_start3A_64 = tpu.memref_slice %arg7[%arg0, %multiple_of3A_43, %dma_start3A_63] : memref<2x10000x128xf32, #tpu.memory_space<hbm>> -> memref<1x80x128xf32, #tpu.memory_space<hbm>>
      %dma_start3A_65 = tpu.memref_squeeze %dma_start3A_64 : memref<1x80x128xf32, #tpu.memory_space<hbm>> -> memref<80x128xf32, #tpu.memory_space<hbm>>
      %dma_start3A_66 = arith.constant 0 : i32
      %dma_start3A_67 = arith.constant 0 : i32
      %dma_start3A_68 = tpu.memref_slice %arg11[%dma_start3A_66, %dma_start3A_67] : memref<80x128xf32, #tpu.memory_space<vmem>> -> memref<80x128xf32, #tpu.memory_space<vmem>>
      tpu.enqueue_dma source(%dma_start3A_68 : memref<80x128xf32, #tpu.memory_space<vmem>>) target(%dma_start3A_65 : memref<80x128xf32, #tpu.memory_space<hbm>>) target_semaphore(%run_scoped3A : memref<!tpu.dma_semaphore, #tpu.memory_space<semaphore_mem>>)
      %dma_wait3A = arith.constant 0 : i32
      %dma_wait3A_69 = arith.constant 0 : i32
      %dma_wait3A_70 = tpu.memref_slice %arg11[%dma_wait3A, %dma_wait3A_69] : memref<80x128xf32, #tpu.memory_space<vmem>> -> memref<80x128xf32, #tpu.memory_space<vmem>>
      %dma_wait3A_71 = arith.constant 0 : i32
      %dma_wait3A_72 = tpu.memref_slice %arg7[%arg0, %multiple_of3A_43, %dma_wait3A_71] : memref<2x10000x128xf32, #tpu.memory_space<hbm>> -> memref<1x80x128xf32, #tpu.memory_space<hbm>>
      %dma_wait3A_73 = tpu.memref_squeeze %dma_wait3A_72 : memref<1x80x128xf32, #tpu.memory_space<hbm>> -> memref<80x128xf32, #tpu.memory_space<hbm>>
      %dma_wait3A_74 = arith.constant 0 : i32
      %dma_wait3A_75 = tpu.memref_slice %arg7[%arg0, %multiple_of3A_43, %dma_wait3A_74] : memref<2x10000x128xf32, #tpu.memory_space<hbm>> -> memref<1x80x128xf32, #tpu.memory_space<hbm>>
      %dma_wait3A_76 = tpu.memref_squeeze %dma_wait3A_75 : memref<1x80x128xf32, #tpu.memory_space<hbm>> -> memref<80x128xf32, #tpu.memory_space<hbm>>
      %dma_wait3A_77 = arith.constant 0 : i32
      %dma_wait3A_78 = arith.constant 0 : i32
      %dma_wait3A_79 = tpu.memref_slice %arg11[%dma_wait3A_77, %dma_wait3A_78] : memref<80x128xf32, #tpu.memory_space<vmem>> -> memref<80x128xf32, #tpu.memory_space<vmem>>
      tpu.wait_dma2 semaphore(%run_scoped3A : memref<!tpu.dma_semaphore, #tpu.memory_space<semaphore_mem>>) src(%dma_wait3A_79 : memref<80x128xf32, #tpu.memory_space<vmem>>) dst(%dma_wait3A_76 : memref<80x128xf32, #tpu.memory_space<hbm>>)
      tpu.yield
    }) : () -> ()
    %add3A_44 = arith.constant 400 : i32
    %add3A_45 = arith.addi %multiple_of3A, %add3A_44 : i32
    %multiple_of3A_46 = tpu.assume_multiple %add3A_45, 8 : i32
    "tpu.region"() ({
      %run_scoped3A = tpu.sem_alloc : memref<!tpu.dma_semaphore, #tpu.memory_space<semaphore_mem>>
      %dma_start3A = arith.constant 0 : i32
      %dma_start3A_58 = arith.constant 0 : i32
      %dma_start3A_59 = tpu.memref_slice %arg11[%dma_start3A, %dma_start3A_58] : memref<80x128xf32, #tpu.memory_space<vmem>> -> memref<80x128xf32, #tpu.memory_space<vmem>>
      %dma_start3A_60 = arith.constant 0 : i32
      %dma_start3A_61 = tpu.memref_slice %arg13[%multiple_of3A_46, %dma_start3A_60] : memref<10000x128xf32, #tpu.memory_space<vmem_shared>> -> memref<80x128xf32, #tpu.memory_space<vmem_shared>>
      %dma_start3A_62 = arith.constant 0 : i32
      %dma_start3A_63 = arith.constant 0 : i32
      %dma_start3A_64 = tpu.memref_slice %arg11[%dma_start3A_62, %dma_start3A_63] : memref<80x128xf32, #tpu.memory_space<vmem>> -> memref<80x128xf32, #tpu.memory_space<vmem>>
      %dma_start3A_65 = arith.constant 0 : i32
      %dma_start3A_66 = tpu.memref_slice %arg13[%multiple_of3A_46, %dma_start3A_65] : memref<10000x128xf32, #tpu.memory_space<vmem_shared>> -> memref<80x128xf32, #tpu.memory_space<vmem_shared>>
      tpu.enqueue_dma source(%dma_start3A_66 : memref<80x128xf32, #tpu.memory_space<vmem_shared>>) target(%dma_start3A_64 : memref<80x128xf32, #tpu.memory_space<vmem>>) target_semaphore(%run_scoped3A : memref<!tpu.dma_semaphore, #tpu.memory_space<semaphore_mem>>)
      %dma_wait3A = arith.constant 0 : i32
      %dma_wait3A_67 = arith.constant 0 : i32
      %dma_wait3A_68 = tpu.memref_slice %arg11[%dma_wait3A, %dma_wait3A_67] : memref<80x128xf32, #tpu.memory_space<vmem>> -> memref<80x128xf32, #tpu.memory_space<vmem>>
      %dma_wait3A_69 = arith.constant 0 : i32
      %dma_wait3A_70 = tpu.memref_slice %arg13[%multiple_of3A_46, %dma_wait3A_69] : memref<10000x128xf32, #tpu.memory_space<vmem_shared>> -> memref<80x128xf32, #tpu.memory_space<vmem_shared>>
      %dma_wait3A_71 = arith.constant 0 : i32
      %dma_wait3A_72 = arith.constant 0 : i32
      %dma_wait3A_73 = tpu.memref_slice %arg11[%dma_wait3A_71, %dma_wait3A_72] : memref<80x128xf32, #tpu.memory_space<vmem>> -> memref<80x128xf32, #tpu.memory_space<vmem>>
      %dma_wait3A_74 = arith.constant 0 : i32
      %dma_wait3A_75 = tpu.memref_slice %arg13[%multiple_of3A_46, %dma_wait3A_74] : memref<10000x128xf32, #tpu.memory_space<vmem_shared>> -> memref<80x128xf32, #tpu.memory_space<vmem_shared>>
      tpu.wait_dma2 semaphore(%run_scoped3A : memref<!tpu.dma_semaphore, #tpu.memory_space<semaphore_mem>>) src(%dma_wait3A_75 : memref<80x128xf32, #tpu.memory_space<vmem_shared>>) dst(%dma_wait3A_73 : memref<80x128xf32, #tpu.memory_space<vmem>>)
      tpu.yield
    }) : () -> ()
    "tpu.region"() ({
      %run_scoped3A = tpu.sem_alloc : memref<!tpu.dma_semaphore, #tpu.memory_space<semaphore_mem>>
      %dma_start3A = arith.constant 0 : i32
      %dma_start3A_58 = arith.constant 0 : i32
      %dma_start3A_59 = tpu.memref_slice %arg11[%dma_start3A, %dma_start3A_58] : memref<80x128xf32, #tpu.memory_space<vmem>> -> memref<80x128xf32, #tpu.memory_space<vmem>>
      %dma_start3A_60 = arith.constant 0 : i32
      %dma_start3A_61 = tpu.memref_slice %arg7[%arg0, %multiple_of3A_46, %dma_start3A_60] : memref<2x10000x128xf32, #tpu.memory_space<hbm>> -> memref<1x80x128xf32, #tpu.memory_space<hbm>>
      %dma_start3A_62 = tpu.memref_squeeze %dma_start3A_61 : memref<1x80x128xf32, #tpu.memory_space<hbm>> -> memref<80x128xf32, #tpu.memory_space<hbm>>
      %dma_start3A_63 = arith.constant 0 : i32
      %dma_start3A_64 = tpu.memref_slice %arg7[%arg0, %multiple_of3A_46, %dma_start3A_63] : memref<2x10000x128xf32, #tpu.memory_space<hbm>> -> memref<1x80x128xf32, #tpu.memory_space<hbm>>
      %dma_start3A_65 = tpu.memref_squeeze %dma_start3A_64 : memref<1x80x128xf32, #tpu.memory_space<hbm>> -> memref<80x128xf32, #tpu.memory_space<hbm>>
      %dma_start3A_66 = arith.constant 0 : i32
      %dma_start3A_67 = arith.constant 0 : i32
      %dma_start3A_68 = tpu.memref_slice %arg11[%dma_start3A_66, %dma_start3A_67] : memref<80x128xf32, #tpu.memory_space<vmem>> -> memref<80x128xf32, #tpu.memory_space<vmem>>
      tpu.enqueue_dma source(%dma_start3A_68 : memref<80x128xf32, #tpu.memory_space<vmem>>) target(%dma_start3A_65 : memref<80x128xf32, #tpu.memory_space<hbm>>) target_semaphore(%run_scoped3A : memref<!tpu.dma_semaphore, #tpu.memory_space<semaphore_mem>>)
      %dma_wait3A = arith.constant 0 : i32
      %dma_wait3A_69 = arith.constant 0 : i32
      %dma_wait3A_70 = tpu.memref_slice %arg11[%dma_wait3A, %dma_wait3A_69] : memref<80x128xf32, #tpu.memory_space<vmem>> -> memref<80x128xf32, #tpu.memory_space<vmem>>
      %dma_wait3A_71 = arith.constant 0 : i32
      %dma_wait3A_72 = tpu.memref_slice %arg7[%arg0, %multiple_of3A_46, %dma_wait3A_71] : memref<2x10000x128xf32, #tpu.memory_space<hbm>> -> memref<1x80x128xf32, #tpu.memory_space<hbm>>
      %dma_wait3A_73 = tpu.memref_squeeze %dma_wait3A_72 : memref<1x80x128xf32, #tpu.memory_space<hbm>> -> memref<80x128xf32, #tpu.memory_space<hbm>>
      %dma_wait3A_74 = arith.constant 0 : i32
      %dma_wait3A_75 = tpu.memref_slice %arg7[%arg0, %multiple_of3A_46, %dma_wait3A_74] : memref<2x10000x128xf32, #tpu.memory_space<hbm>> -> memref<1x80x128xf32, #tpu.memory_space<hbm>>
      %dma_wait3A_76 = tpu.memref_squeeze %dma_wait3A_75 : memref<1x80x128xf32, #tpu.memory_space<hbm>> -> memref<80x128xf32, #tpu.memory_space<hbm>>
      %dma_wait3A_77 = arith.constant 0 : i32
      %dma_wait3A_78 = arith.constant 0 : i32
      %dma_wait3A_79 = tpu.memref_slice %arg11[%dma_wait3A_77, %dma_wait3A_78] : memref<80x128xf32, #tpu.memory_space<vmem>> -> memref<80x128xf32, #tpu.memory_space<vmem>>
      tpu.wait_dma2 semaphore(%run_scoped3A : memref<!tpu.dma_semaphore, #tpu.memory_space<semaphore_mem>>) src(%dma_wait3A_79 : memref<80x128xf32, #tpu.memory_space<vmem>>) dst(%dma_wait3A_76 : memref<80x128xf32, #tpu.memory_space<hbm>>)
      tpu.yield
    }) : () -> ()
    %add3A_47 = arith.constant 480 : i32
    %add3A_48 = arith.addi %multiple_of3A, %add3A_47 : i32
    %multiple_of3A_49 = tpu.assume_multiple %add3A_48, 8 : i32
    "tpu.region"() ({
      %run_scoped3A = tpu.sem_alloc : memref<!tpu.dma_semaphore, #tpu.memory_space<semaphore_mem>>
      %dma_start3A = arith.constant 0 : i32
      %dma_start3A_58 = arith.constant 0 : i32
      %dma_start3A_59 = tpu.memref_slice %arg11[%dma_start3A, %dma_start3A_58] : memref<80x128xf32, #tpu.memory_space<vmem>> -> memref<80x128xf32, #tpu.memory_space<vmem>>
      %dma_start3A_60 = arith.constant 0 : i32
      %dma_start3A_61 = tpu.memref_slice %arg13[%multiple_of3A_49, %dma_start3A_60] : memref<10000x128xf32, #tpu.memory_space<vmem_shared>> -> memref<80x128xf32, #tpu.memory_space<vmem_shared>>
      %dma_start3A_62 = arith.constant 0 : i32
      %dma_start3A_63 = arith.constant 0 : i32
      %dma_start3A_64 = tpu.memref_slice %arg11[%dma_start3A_62, %dma_start3A_63] : memref<80x128xf32, #tpu.memory_space<vmem>> -> memref<80x128xf32, #tpu.memory_space<vmem>>
      %dma_start3A_65 = arith.constant 0 : i32
      %dma_start3A_66 = tpu.memref_slice %arg13[%multiple_of3A_49, %dma_start3A_65] : memref<10000x128xf32, #tpu.memory_space<vmem_shared>> -> memref<80x128xf32, #tpu.memory_space<vmem_shared>>
      tpu.enqueue_dma source(%dma_start3A_66 : memref<80x128xf32, #tpu.memory_space<vmem_shared>>) target(%dma_start3A_64 : memref<80x128xf32, #tpu.memory_space<vmem>>) target_semaphore(%run_scoped3A : memref<!tpu.dma_semaphore, #tpu.memory_space<semaphore_mem>>)
      %dma_wait3A = arith.constant 0 : i32
      %dma_wait3A_67 = arith.constant 0 : i32
      %dma_wait3A_68 = tpu.memref_slice %arg11[%dma_wait3A, %dma_wait3A_67] : memref<80x128xf32, #tpu.memory_space<vmem>> -> memref<80x128xf32, #tpu.memory_space<vmem>>
      %dma_wait3A_69 = arith.constant 0 : i32
      %dma_wait3A_70 = tpu.memref_slice %arg13[%multiple_of3A_49, %dma_wait3A_69] : memref<10000x128xf32, #tpu.memory_space<vmem_shared>> -> memref<80x128xf32, #tpu.memory_space<vmem_shared>>
      %dma_wait3A_71 = arith.constant 0 : i32
      %dma_wait3A_72 = arith.constant 0 : i32
      %dma_wait3A_73 = tpu.memref_slice %arg11[%dma_wait3A_71, %dma_wait3A_72] : memref<80x128xf32, #tpu.memory_space<vmem>> -> memref<80x128xf32, #tpu.memory_space<vmem>>
      %dma_wait3A_74 = arith.constant 0 : i32
      %dma_wait3A_75 = tpu.memref_slice %arg13[%multiple_of3A_49, %dma_wait3A_74] : memref<10000x128xf32, #tpu.memory_space<vmem_shared>> -> memref<80x128xf32, #tpu.memory_space<vmem_shared>>
      tpu.wait_dma2 semaphore(%run_scoped3A : memref<!tpu.dma_semaphore, #tpu.memory_space<semaphore_mem>>) src(%dma_wait3A_75 : memref<80x128xf32, #tpu.memory_space<vmem_shared>>) dst(%dma_wait3A_73 : memref<80x128xf32, #tpu.memory_space<vmem>>)
      tpu.yield
    }) : () -> ()
    "tpu.region"() ({
      %run_scoped3A = tpu.sem_alloc : memref<!tpu.dma_semaphore, #tpu.memory_space<semaphore_mem>>
      %dma_start3A = arith.constant 0 : i32
      %dma_start3A_58 = arith.constant 0 : i32
      %dma_start3A_59 = tpu.memref_slice %arg11[%dma_start3A, %dma_start3A_58] : memref<80x128xf32, #tpu.memory_space<vmem>> -> memref<80x128xf32, #tpu.memory_space<vmem>>
      %dma_start3A_60 = arith.constant 0 : i32
      %dma_start3A_61 = tpu.memref_slice %arg7[%arg0, %multiple_of3A_49, %dma_start3A_60] : memref<2x10000x128xf32, #tpu.memory_space<hbm>> -> memref<1x80x128xf32, #tpu.memory_space<hbm>>
      %dma_start3A_62 = tpu.memref_squeeze %dma_start3A_61 : memref<1x80x128xf32, #tpu.memory_space<hbm>> -> memref<80x128xf32, #tpu.memory_space<hbm>>
      %dma_start3A_63 = arith.constant 0 : i32
      %dma_start3A_64 = tpu.memref_slice %arg7[%arg0, %multiple_of3A_49, %dma_start3A_63] : memref<2x10000x128xf32, #tpu.memory_space<hbm>> -> memref<1x80x128xf32, #tpu.memory_space<hbm>>
      %dma_start3A_65 = tpu.memref_squeeze %dma_start3A_64 : memref<1x80x128xf32, #tpu.memory_space<hbm>> -> memref<80x128xf32, #tpu.memory_space<hbm>>
      %dma_start3A_66 = arith.constant 0 : i32
      %dma_start3A_67 = arith.constant 0 : i32
      %dma_start3A_68 = tpu.memref_slice %arg11[%dma_start3A_66, %dma_start3A_67] : memref<80x128xf32, #tpu.memory_space<vmem>> -> memref<80x128xf32, #tpu.memory_space<vmem>>
      tpu.enqueue_dma source(%dma_start3A_68 : memref<80x128xf32, #tpu.memory_space<vmem>>) target(%dma_start3A_65 : memref<80x128xf32, #tpu.memory_space<hbm>>) target_semaphore(%run_scoped3A : memref<!tpu.dma_semaphore, #tpu.memory_space<semaphore_mem>>)
      %dma_wait3A = arith.constant 0 : i32
      %dma_wait3A_69 = arith.constant 0 : i32
      %dma_wait3A_70 = tpu.memref_slice %arg11[%dma_wait3A, %dma_wait3A_69] : memref<80x128xf32, #tpu.memory_space<vmem>> -> memref<80x128xf32, #tpu.memory_space<vmem>>
      %dma_wait3A_71 = arith.constant 0 : i32
      %dma_wait3A_72 = tpu.memref_slice %arg7[%arg0, %multiple_of3A_49, %dma_wait3A_71] : memref<2x10000x128xf32, #tpu.memory_space<hbm>> -> memref<1x80x128xf32, #tpu.memory_space<hbm>>
      %dma_wait3A_73 = tpu.memref_squeeze %dma_wait3A_72 : memref<1x80x128xf32, #tpu.memory_space<hbm>> -> memref<80x128xf32, #tpu.memory_space<hbm>>
      %dma_wait3A_74 = arith.constant 0 : i32
      %dma_wait3A_75 = tpu.memref_slice %arg7[%arg0, %multiple_of3A_49, %dma_wait3A_74] : memref<2x10000x128xf32, #tpu.memory_space<hbm>> -> memref<1x80x128xf32, #tpu.memory_space<hbm>>
      %dma_wait3A_76 = tpu.memref_squeeze %dma_wait3A_75 : memref<1x80x128xf32, #tpu.memory_space<hbm>> -> memref<80x128xf32, #tpu.memory_space<hbm>>
      %dma_wait3A_77 = arith.constant 0 : i32
      %dma_wait3A_78 = arith.constant 0 : i32
      %dma_wait3A_79 = tpu.memref_slice %arg11[%dma_wait3A_77, %dma_wait3A_78] : memref<80x128xf32, #tpu.memory_space<vmem>> -> memref<80x128xf32, #tpu.memory_space<vmem>>
      tpu.wait_dma2 semaphore(%run_scoped3A : memref<!tpu.dma_semaphore, #tpu.memory_space<semaphore_mem>>) src(%dma_wait3A_79 : memref<80x128xf32, #tpu.memory_space<vmem>>) dst(%dma_wait3A_76 : memref<80x128xf32, #tpu.memory_space<hbm>>)
      tpu.yield
    }) : () -> ()
    %add3A_50 = arith.constant 560 : i32
    %add3A_51 = arith.addi %multiple_of3A, %add3A_50 : i32
    %multiple_of3A_52 = tpu.assume_multiple %add3A_51, 8 : i32
    "tpu.region"() ({
      %run_scoped3A = tpu.sem_alloc : memref<!tpu.dma_semaphore, #tpu.memory_space<semaphore_mem>>
      %dma_start3A = arith.constant 0 : i32
      %dma_start3A_58 = arith.constant 0 : i32
      %dma_start3A_59 = tpu.memref_slice %arg11[%dma_start3A, %dma_start3A_58] : memref<80x128xf32, #tpu.memory_space<vmem>> -> memref<64x128xf32, #tpu.memory_space<vmem>>
      %dma_start3A_60 = arith.constant 0 : i32
      %dma_start3A_61 = tpu.memref_slice %arg13[%multiple_of3A_52, %dma_start3A_60] : memref<10000x128xf32, #tpu.memory_space<vmem_shared>> -> memref<64x128xf32, #tpu.memory_space<vmem_shared>>
      %dma_start3A_62 = arith.constant 0 : i32
      %dma_start3A_63 = arith.constant 0 : i32
      %dma_start3A_64 = tpu.memref_slice %arg11[%dma_start3A_62, %dma_start3A_63] : memref<80x128xf32, #tpu.memory_space<vmem>> -> memref<64x128xf32, #tpu.memory_space<vmem>>
      %dma_start3A_65 = arith.constant 0 : i32
      %dma_start3A_66 = tpu.memref_slice %arg13[%multiple_of3A_52, %dma_start3A_65] : memref<10000x128xf32, #tpu.memory_space<vmem_shared>> -> memref<64x128xf32, #tpu.memory_space<vmem_shared>>
      tpu.enqueue_dma source(%dma_start3A_66 : memref<64x128xf32, #tpu.memory_space<vmem_shared>>) target(%dma_start3A_64 : memref<64x128xf32, #tpu.memory_space<vmem>>) target_semaphore(%run_scoped3A : memref<!tpu.dma_semaphore, #tpu.memory_space<semaphore_mem>>)
      %dma_wait3A = arith.constant 0 : i32
      %dma_wait3A_67 = arith.constant 0 : i32
      %dma_wait3A_68 = tpu.memref_slice %arg11[%dma_wait3A, %dma_wait3A_67] : memref<80x128xf32, #tpu.memory_space<vmem>> -> memref<64x128xf32, #tpu.memory_space<vmem>>
      %dma_wait3A_69 = arith.constant 0 : i32
      %dma_wait3A_70 = tpu.memref_slice %arg13[%multiple_of3A_52, %dma_wait3A_69] : memref<10000x128xf32, #tpu.memory_space<vmem_shared>> -> memref<64x128xf32, #tpu.memory_space<vmem_shared>>
      %dma_wait3A_71 = arith.constant 0 : i32
      %dma_wait3A_72 = arith.constant 0 : i32
      %dma_wait3A_73 = tpu.memref_slice %arg11[%dma_wait3A_71, %dma_wait3A_72] : memref<80x128xf32, #tpu.memory_space<vmem>> -> memref<64x128xf32, #tpu.memory_space<vmem>>
      %dma_wait3A_74 = arith.constant 0 : i32
      %dma_wait3A_75 = tpu.memref_slice %arg13[%multiple_of3A_52, %dma_wait3A_74] : memref<10000x128xf32, #tpu.memory_space<vmem_shared>> -> memref<64x128xf32, #tpu.memory_space<vmem_shared>>
      tpu.wait_dma2 semaphore(%run_scoped3A : memref<!tpu.dma_semaphore, #tpu.memory_space<semaphore_mem>>) src(%dma_wait3A_75 : memref<64x128xf32, #tpu.memory_space<vmem_shared>>) dst(%dma_wait3A_73 : memref<64x128xf32, #tpu.memory_space<vmem>>)
      tpu.yield
    }) : () -> ()
    "tpu.region"() ({
      %run_scoped3A = tpu.sem_alloc : memref<!tpu.dma_semaphore, #tpu.memory_space<semaphore_mem>>
      %dma_start3A = arith.constant 0 : i32
      %dma_start3A_58 = arith.constant 0 : i32
      %dma_start3A_59 = tpu.memref_slice %arg11[%dma_start3A, %dma_start3A_58] : memref<80x128xf32, #tpu.memory_space<vmem>> -> memref<64x128xf32, #tpu.memory_space<vmem>>
      %dma_start3A_60 = arith.constant 0 : i32
      %dma_start3A_61 = tpu.memref_slice %arg7[%arg0, %multiple_of3A_52, %dma_start3A_60] : memref<2x10000x128xf32, #tpu.memory_space<hbm>> -> memref<1x64x128xf32, #tpu.memory_space<hbm>>
      %dma_start3A_62 = tpu.memref_squeeze %dma_start3A_61 : memref<1x64x128xf32, #tpu.memory_space<hbm>> -> memref<64x128xf32, #tpu.memory_space<hbm>>
      %dma_start3A_63 = arith.constant 0 : i32
      %dma_start3A_64 = tpu.memref_slice %arg7[%arg0, %multiple_of3A_52, %dma_start3A_63] : memref<2x10000x128xf32, #tpu.memory_space<hbm>> -> memref<1x64x128xf32, #tpu.memory_space<hbm>>
      %dma_start3A_65 = tpu.memref_squeeze %dma_start3A_64 : memref<1x64x128xf32, #tpu.memory_space<hbm>> -> memref<64x128xf32, #tpu.memory_space<hbm>>
      %dma_start3A_66 = arith.constant 0 : i32
      %dma_start3A_67 = arith.constant 0 : i32
      %dma_start3A_68 = tpu.memref_slice %arg11[%dma_start3A_66, %dma_start3A_67] : memref<80x128xf32, #tpu.memory_space<vmem>> -> memref<64x128xf32, #tpu.memory_space<vmem>>
      tpu.enqueue_dma source(%dma_start3A_68 : memref<64x128xf32, #tpu.memory_space<vmem>>) target(%dma_start3A_65 : memref<64x128xf32, #tpu.memory_space<hbm>>) target_semaphore(%run_scoped3A : memref<!tpu.dma_semaphore, #tpu.memory_space<semaphore_mem>>)
      %dma_wait3A = arith.constant 0 : i32
      %dma_wait3A_69 = arith.constant 0 : i32
      %dma_wait3A_70 = tpu.memref_slice %arg11[%dma_wait3A, %dma_wait3A_69] : memref<80x128xf32, #tpu.memory_space<vmem>> -> memref<64x128xf32, #tpu.memory_space<vmem>>
      %dma_wait3A_71 = arith.constant 0 : i32
      %dma_wait3A_72 = tpu.memref_slice %arg7[%arg0, %multiple_of3A_52, %dma_wait3A_71] : memref<2x10000x128xf32, #tpu.memory_space<hbm>> -> memref<1x64x128xf32, #tpu.memory_space<hbm>>
      %dma_wait3A_73 = tpu.memref_squeeze %dma_wait3A_72 : memref<1x64x128xf32, #tpu.memory_space<hbm>> -> memref<64x128xf32, #tpu.memory_space<hbm>>
      %dma_wait3A_74 = arith.constant 0 : i32
      %dma_wait3A_75 = tpu.memref_slice %arg7[%arg0, %multiple_of3A_52, %dma_wait3A_74] : memref<2x10000x128xf32, #tpu.memory_space<hbm>> -> memref<1x64x128xf32, #tpu.memory_space<hbm>>
      %dma_wait3A_76 = tpu.memref_squeeze %dma_wait3A_75 : memref<1x64x128xf32, #tpu.memory_space<hbm>> -> memref<64x128xf32, #tpu.memory_space<hbm>>
      %dma_wait3A_77 = arith.constant 0 : i32
      %dma_wait3A_78 = arith.constant 0 : i32
      %dma_wait3A_79 = tpu.memref_slice %arg11[%dma_wait3A_77, %dma_wait3A_78] : memref<80x128xf32, #tpu.memory_space<vmem>> -> memref<64x128xf32, #tpu.memory_space<vmem>>
      tpu.wait_dma2 semaphore(%run_scoped3A : memref<!tpu.dma_semaphore, #tpu.memory_space<semaphore_mem>>) src(%dma_wait3A_79 : memref<64x128xf32, #tpu.memory_space<vmem>>) dst(%dma_wait3A_76 : memref<64x128xf32, #tpu.memory_space<hbm>>)
      tpu.yield
    }) : () -> ()
    %eq3A_53 = arith.constant 0 : i32
    %eq3A_54 = arith.cmpi eq, %arg1, %eq3A_53 : i32
    %convert_element_type3A_55 = arith.extui %eq3A_54 : i1 to i32
    %cond3A_56 = arith.constant 0 : i32
    %cond3A_57 = arith.cmpi ne, %convert_element_type3A_55, %cond3A_56 : i32
    scf.if %cond3A_57 {
      "tpu.region"() ({
        %run_scoped3A = tpu.sem_alloc : memref<!tpu.dma_semaphore, #tpu.memory_space<semaphore_mem>>
        %dma_start3A = arith.constant 0 : i32
        %dma_start3A_58 = arith.constant 0 : i32
        %dma_start3A_59 = tpu.memref_slice %arg11[%dma_start3A, %dma_start3A_58] : memref<80x128xf32, #tpu.memory_space<vmem>> -> memref<16x128xf32, #tpu.memory_space<vmem>>
        %dma_start3A_60 = arith.constant 9984 : i32
        %dma_start3A_61 = arith.constant 0 : i32
        %dma_start3A_62 = tpu.memref_slice %arg13[%dma_start3A_60, %dma_start3A_61] : memref<10000x128xf32, #tpu.memory_space<vmem_shared>> -> memref<16x128xf32, #tpu.memory_space<vmem_shared>>
        %dma_start3A_63 = arith.constant 0 : i32
        %dma_start3A_64 = arith.constant 0 : i32
        %dma_start3A_65 = tpu.memref_slice %arg11[%dma_start3A_63, %dma_start3A_64] : memref<80x128xf32, #tpu.memory_space<vmem>> -> memref<16x128xf32, #tpu.memory_space<vmem>>
        %dma_start3A_66 = arith.constant 9984 : i32
        %dma_start3A_67 = arith.constant 0 : i32
        %dma_start3A_68 = tpu.memref_slice %arg13[%dma_start3A_66, %dma_start3A_67] : memref<10000x128xf32, #tpu.memory_space<vmem_shared>> -> memref<16x128xf32, #tpu.memory_space<vmem_shared>>
        tpu.enqueue_dma source(%dma_start3A_68 : memref<16x128xf32, #tpu.memory_space<vmem_shared>>) target(%dma_start3A_65 : memref<16x128xf32, #tpu.memory_space<vmem>>) target_semaphore(%run_scoped3A : memref<!tpu.dma_semaphore, #tpu.memory_space<semaphore_mem>>)
        %dma_wait3A = arith.constant 0 : i32
        %dma_wait3A_69 = arith.constant 0 : i32
        %dma_wait3A_70 = tpu.memref_slice %arg11[%dma_wait3A, %dma_wait3A_69] : memref<80x128xf32, #tpu.memory_space<vmem>> -> memref<16x128xf32, #tpu.memory_space<vmem>>
        %dma_wait3A_71 = arith.constant 9984 : i32
        %dma_wait3A_72 = arith.constant 0 : i32
        %dma_wait3A_73 = tpu.memref_slice %arg13[%dma_wait3A_71, %dma_wait3A_72] : memref<10000x128xf32, #tpu.memory_space<vmem_shared>> -> memref<16x128xf32, #tpu.memory_space<vmem_shared>>
        %dma_wait3A_74 = arith.constant 0 : i32
        %dma_wait3A_75 = arith.constant 0 : i32
        %dma_wait3A_76 = tpu.memref_slice %arg11[%dma_wait3A_74, %dma_wait3A_75] : memref<80x128xf32, #tpu.memory_space<vmem>> -> memref<16x128xf32, #tpu.memory_space<vmem>>
        %dma_wait3A_77 = arith.constant 9984 : i32
        %dma_wait3A_78 = arith.constant 0 : i32
        %dma_wait3A_79 = tpu.memref_slice %arg13[%dma_wait3A_77, %dma_wait3A_78] : memref<10000x128xf32, #tpu.memory_space<vmem_shared>> -> memref<16x128xf32, #tpu.memory_space<vmem_shared>>
        tpu.wait_dma2 semaphore(%run_scoped3A : memref<!tpu.dma_semaphore, #tpu.memory_space<semaphore_mem>>) src(%dma_wait3A_79 : memref<16x128xf32, #tpu.memory_space<vmem_shared>>) dst(%dma_wait3A_76 : memref<16x128xf32, #tpu.memory_space<vmem>>)
        tpu.yield
      }) : () -> ()
      "tpu.region"() ({
        %run_scoped3A = tpu.sem_alloc : memref<!tpu.dma_semaphore, #tpu.memory_space<semaphore_mem>>
        %dma_start3A = arith.constant 0 : i32
        %dma_start3A_58 = arith.constant 0 : i32
        %dma_start3A_59 = tpu.memref_slice %arg11[%dma_start3A, %dma_start3A_58] : memref<80x128xf32, #tpu.memory_space<vmem>> -> memref<16x128xf32, #tpu.memory_space<vmem>>
        %dma_start3A_60 = arith.constant 9984 : i32
        %dma_start3A_61 = arith.constant 0 : i32
        %dma_start3A_62 = tpu.memref_slice %arg7[%arg0, %dma_start3A_60, %dma_start3A_61] : memref<2x10000x128xf32, #tpu.memory_space<hbm>> -> memref<1x16x128xf32, #tpu.memory_space<hbm>>
        %dma_start3A_63 = tpu.memref_squeeze %dma_start3A_62 : memref<1x16x128xf32, #tpu.memory_space<hbm>> -> memref<16x128xf32, #tpu.memory_space<hbm>>
        %dma_start3A_64 = arith.constant 9984 : i32
        %dma_start3A_65 = arith.constant 0 : i32
        %dma_start3A_66 = tpu.memref_slice %arg7[%arg0, %dma_start3A_64, %dma_start3A_65] : memref<2x10000x128xf32, #tpu.memory_space<hbm>> -> memref<1x16x128xf32, #tpu.memory_space<hbm>>
        %dma_start3A_67 = tpu.memref_squeeze %dma_start3A_66 : memref<1x16x128xf32, #tpu.memory_space<hbm>> -> memref<16x128xf32, #tpu.memory_space<hbm>>
        %dma_start3A_68 = arith.constant 0 : i32
        %dma_start3A_69 = arith.constant 0 : i32
        %dma_start3A_70 = tpu.memref_slice %arg11[%dma_start3A_68, %dma_start3A_69] : memref<80x128xf32, #tpu.memory_space<vmem>> -> memref<16x128xf32, #tpu.memory_space<vmem>>
        tpu.enqueue_dma source(%dma_start3A_70 : memref<16x128xf32, #tpu.memory_space<vmem>>) target(%dma_start3A_67 : memref<16x128xf32, #tpu.memory_space<hbm>>) target_semaphore(%run_scoped3A : memref<!tpu.dma_semaphore, #tpu.memory_space<semaphore_mem>>)
        %dma_wait3A = arith.constant 0 : i32
        %dma_wait3A_71 = arith.constant 0 : i32
        %dma_wait3A_72 = tpu.memref_slice %arg11[%dma_wait3A, %dma_wait3A_71] : memref<80x128xf32, #tpu.memory_space<vmem>> -> memref<16x128xf32, #tpu.memory_space<vmem>>
        %dma_wait3A_73 = arith.constant 9984 : i32
        %dma_wait3A_74 = arith.constant 0 : i32
        %dma_wait3A_75 = tpu.memref_slice %arg7[%arg0, %dma_wait3A_73, %dma_wait3A_74] : memref<2x10000x128xf32, #tpu.memory_space<hbm>> -> memref<1x16x128xf32, #tpu.memory_space<hbm>>
        %dma_wait3A_76 = tpu.memref_squeeze %dma_wait3A_75 : memref<1x16x128xf32, #tpu.memory_space<hbm>> -> memref<16x128xf32, #tpu.memory_space<hbm>>
        %dma_wait3A_77 = arith.constant 9984 : i32
        %dma_wait3A_78 = arith.constant 0 : i32
        %dma_wait3A_79 = tpu.memref_slice %arg7[%arg0, %dma_wait3A_77, %dma_wait3A_78] : memref<2x10000x128xf32, #tpu.memory_space<hbm>> -> memref<1x16x128xf32, #tpu.memory_space<hbm>>
        %dma_wait3A_80 = tpu.memref_squeeze %dma_wait3A_79 : memref<1x16x128xf32, #tpu.memory_space<hbm>> -> memref<16x128xf32, #tpu.memory_space<hbm>>
        %dma_wait3A_81 = arith.constant 0 : i32
        %dma_wait3A_82 = arith.constant 0 : i32
        %dma_wait3A_83 = tpu.memref_slice %arg11[%dma_wait3A_81, %dma_wait3A_82] : memref<80x128xf32, #tpu.memory_space<vmem>> -> memref<16x128xf32, #tpu.memory_space<vmem>>
        tpu.wait_dma2 semaphore(%run_scoped3A : memref<!tpu.dma_semaphore, #tpu.memory_space<semaphore_mem>>) src(%dma_wait3A_83 : memref<16x128xf32, #tpu.memory_space<vmem>>) dst(%dma_wait3A_80 : memref<16x128xf32, #tpu.memory_space<hbm>>)
        tpu.yield
      }) : () -> ()
    } else {
    }
    "tpu.region"() ({
      %run_scoped3A = tpu.sem_alloc : memref<!tpu.dma_semaphore, #tpu.memory_space<semaphore_mem>>
      %dma_start3A = arith.constant 0 : i32
      %dma_start3A_58 = tpu.memref_slice %arg8[%add3A, %dma_start3A] : memref<32x10000xf32, #tpu.memory_space<hbm>> -> memref<1x10000xf32, #tpu.memory_space<hbm>>
      %dma_start3A_59 = tpu.memref_squeeze %dma_start3A_58 : memref<1x10000xf32, #tpu.memory_space<hbm>> -> memref<10000xf32, #tpu.memory_space<hbm>>
      %dma_start3A_60 = arith.constant 0 : i32
      %dma_start3A_61 = tpu.memref_slice %arg8[%add3A, %dma_start3A_60] : memref<32x10000xf32, #tpu.memory_space<hbm>> -> memref<1x10000xf32, #tpu.memory_space<hbm>>
      %dma_start3A_62 = tpu.memref_squeeze %dma_start3A_61 : memref<1x10000xf32, #tpu.memory_space<hbm>> -> memref<10000xf32, #tpu.memory_space<hbm>>
      tpu.enqueue_dma source(%arg12 : memref<10000xf32, #tpu.memory_space<vmem>>) target(%dma_start3A_62 : memref<10000xf32, #tpu.memory_space<hbm>>) target_semaphore(%run_scoped3A : memref<!tpu.dma_semaphore, #tpu.memory_space<semaphore_mem>>)
      %dma_wait3A = arith.constant 0 : i32
      %dma_wait3A_63 = tpu.memref_slice %arg8[%add3A, %dma_wait3A] : memref<32x10000xf32, #tpu.memory_space<hbm>> -> memref<1x10000xf32, #tpu.memory_space<hbm>>
      %dma_wait3A_64 = tpu.memref_squeeze %dma_wait3A_63 : memref<1x10000xf32, #tpu.memory_space<hbm>> -> memref<10000xf32, #tpu.memory_space<hbm>>
      %dma_wait3A_65 = arith.constant 0 : i32
      %dma_wait3A_66 = tpu.memref_slice %arg8[%add3A, %dma_wait3A_65] : memref<32x10000xf32, #tpu.memory_space<hbm>> -> memref<1x10000xf32, #tpu.memory_space<hbm>>
      %dma_wait3A_67 = tpu.memref_squeeze %dma_wait3A_66 : memref<1x10000xf32, #tpu.memory_space<hbm>> -> memref<10000xf32, #tpu.memory_space<hbm>>
      tpu.wait_dma2 semaphore(%run_scoped3A : memref<!tpu.dma_semaphore, #tpu.memory_space<semaphore_mem>>) src(%arg12 : memref<10000xf32, #tpu.memory_space<vmem>>) dst(%dma_wait3A_67 : memref<10000xf32, #tpu.memory_space<hbm>>)
      tpu.yield
    }) : () -> ()
    return
  }
}

module attributes {stable_mosaic.version = 14 : i64} {
  func.func @_tc_body(%arg0: i32, %arg1: memref<1000x128xf32, #tpu.memory_space<vmem>>, %arg2: memref<2x1000x128xf32, #tpu.memory_space<vmem>>, %arg3: memref<1000x32xf32, #tpu.memory_space<vmem>>, %arg4: memref<128x128xf32, #tpu.memory_space<vmem>>, %arg5: memref<128x128xf32, #tpu.memory_space<vmem>>, %arg6: memref<1x128xf32, #tpu.memory_space<vmem>>, %arg7: memref<1x128xf32, #tpu.memory_space<vmem>>, %arg8: memref<1x128xf32, #tpu.memory_space<vmem>>, %arg9: memref<1000x128xf32, #tpu.memory_space<vmem>>) attributes {dimension_semantics = [#tpu.dimension_semantics<arbitrary>], iteration_bounds = array<i64: 10>, scalar_prefetch = 0 : i64, scratch_operands = 0 : i64, tpu.core_type = #tpu.core_type<tc>, window_params = [{transform_indices = @transform_0, window_bounds = array<i64: 1000, 128>}, {transform_indices = @transform_1, window_bounds = array<i64: 2, 1000, 128>}, {transform_indices = @transform_2, window_bounds = array<i64: 1000, 32>}, {pipeline_mode = #tpu.pipeline_mode<synchronous>, transform_indices = @transform_3, window_bounds = array<i64: 128, 128>}, {pipeline_mode = #tpu.pipeline_mode<synchronous>, transform_indices = @transform_4, window_bounds = array<i64: 128, 128>}, {pipeline_mode = #tpu.pipeline_mode<synchronous>, transform_indices = @transform_5, window_bounds = array<i64: 1, 128>}, {pipeline_mode = #tpu.pipeline_mode<synchronous>, transform_indices = @transform_6, window_bounds = array<i64: 1, 128>}, {pipeline_mode = #tpu.pipeline_mode<synchronous>, transform_indices = @transform_7, window_bounds = array<i64: 1, 128>}, {transform_indices = @transform_8, window_bounds = array<i64: 1000, 128>}]} {
    %get3A = arith.constant 0 : index
    %get3A_0 = arith.constant 0 : index
    %get3A_1 = vector.load %arg3[%get3A, %get3A_0] : memref<1000x32xf32, #tpu.memory_space<vmem>>, vector<1000x32xf32>
    %reduce_sum3A = arith.constant dense<0.000000e+00> : vector<1000xf32>
    %reduce_sum3A_2 = vector.multi_reduction <add>, %get3A_1, %reduce_sum3A [1] : vector<1000x32xf32> to vector<1000xf32>
    %broadcast_in_dim3A = vector.shape_cast %reduce_sum3A_2 : vector<1000xf32> to vector<1000x1xf32>
    %gt3A = arith.constant 0.000000e+00 : f32
    %gt3A_3 = vector.broadcast %gt3A : f32 to vector<1000x1xf32>
    %gt3A_4 = arith.cmpf ogt, %broadcast_in_dim3A, %gt3A_3 : vector<1000x1xf32>
    %div3A = arith.constant 1.000000e+00 : f32
    %div3A_5 = vector.broadcast %div3A : f32 to vector<1000x1xf32>
    %div3A_6 = arith.divf %div3A_5, %broadcast_in_dim3A : vector<1000x1xf32>
    %jit3A = arith.constant 0.000000e+00 : f32
    %broadcast_in_dim3A_7 = vector.broadcast %jit3A : f32 to vector<1000x1xf32>
    %select_n3A = arith.select %gt3A_4, %div3A_6, %broadcast_in_dim3A_7 : vector<1000x1xi1>, vector<1000x1xf32>
    %get3A_8 = arith.constant 0 : index
    %get3A_9 = arith.constant 0 : index
    %get3A_10 = arith.constant 0 : index
    %get3A_11 = vector.load %arg2[%get3A_8, %get3A_9, %get3A_10] : memref<2x1000x128xf32, #tpu.memory_space<vmem>>, vector<1x1000x128xf32>
    %get3A_12 = vector.shape_cast %get3A_11 : vector<1x1000x128xf32> to vector<1000x128xf32>
    %get3A_13 = arith.constant 1 : index
    %get3A_14 = arith.constant 0 : index
    %get3A_15 = arith.constant 0 : index
    %get3A_16 = vector.load %arg2[%get3A_13, %get3A_14, %get3A_15] : memref<2x1000x128xf32, #tpu.memory_space<vmem>>, vector<1x1000x128xf32>
    %get3A_17 = vector.shape_cast %get3A_16 : vector<1x1000x128xf32> to vector<1000x128xf32>
    %add3A = arith.addf %get3A_12, %get3A_17 : vector<1000x128xf32>
    %mul3A = vector.broadcast %select_n3A : vector<1000x1xf32> to vector<1000x128xf32>
    %mul3A_18 = arith.mulf %add3A, %mul3A : vector<1000x128xf32>
    %get3A_19 = arith.constant 0 : index
    %get3A_20 = arith.constant 0 : index
    %get3A_21 = vector.load %arg1[%get3A_19, %get3A_20] : memref<1000x128xf32, #tpu.memory_space<vmem>>, vector<1000x128xf32>
    %get3A_22 = arith.constant 0 : index
    %get3A_23 = arith.constant 0 : index
    %get3A_24 = vector.load %arg4[%get3A_22, %get3A_23] : memref<128x128xf32, #tpu.memory_space<vmem>>, vector<128x128xf32>
    %dot_general3A = arith.constant dense<0.000000e+00> : vector<1000x128xf32>
    %dot_general3A_25 = tpu.matmul %get3A_21, %get3A_24, %dot_general3A {dimension_numbers = #tpu.dot_dimension_numbers<[1], [0], [0], [1], [0, 0, 1, 1], [], []>, precision = #tpu.contract_precision<fp32>, transpose_lhs_hint = false} : vector<1000x128xf32>, vector<128x128xf32>, vector<1000x128xf32> -> vector<1000x128xf32>
    %get3A_26 = arith.constant 0 : index
    %get3A_27 = arith.constant 0 : index
    %get3A_28 = vector.load %arg5[%get3A_26, %get3A_27] : memref<128x128xf32, #tpu.memory_space<vmem>>, vector<128x128xf32>
    %dot_general3A_29 = arith.constant dense<0.000000e+00> : vector<1000x128xf32>
    %dot_general3A_30 = tpu.matmul %mul3A_18, %get3A_28, %dot_general3A_29 {dimension_numbers = #tpu.dot_dimension_numbers<[1], [0], [0], [1], [0, 0, 1, 1], [], []>, precision = #tpu.contract_precision<fp32>, transpose_lhs_hint = false} : vector<1000x128xf32>, vector<128x128xf32>, vector<1000x128xf32> -> vector<1000x128xf32>
    %add3A_31 = arith.addf %dot_general3A_25, %dot_general3A_30 : vector<1000x128xf32>
    %get3A_32 = arith.constant 0 : index
    %get3A_33 = arith.constant 0 : index
    %get3A_34 = vector.load %arg6[%get3A_32, %get3A_33] : memref<1x128xf32, #tpu.memory_space<vmem>>, vector<1x128xf32>
    %add3A_35 = vector.broadcast %get3A_34 : vector<1x128xf32> to vector<1000x128xf32>
    %add3A_36 = arith.addf %add3A_31, %add3A_35 : vector<1000x128xf32>
    %reduce_sum3A_37 = arith.constant dense<0.000000e+00> : vector<1000xf32>
    %reduce_sum3A_38 = vector.multi_reduction <add>, %add3A_36, %reduce_sum3A_37 [1] : vector<1000x128xf32> to vector<1000xf32>
    %broadcast_in_dim3A_39 = vector.shape_cast %reduce_sum3A_38 : vector<1000xf32> to vector<1000x1xf32>
    %div3A_40 = arith.constant 1.280000e+02 : f32
    %div3A_41 = vector.broadcast %div3A_40 : f32 to vector<1000x1xf32>
    %div3A_42 = arith.divf %broadcast_in_dim3A_39, %div3A_41 : vector<1000x1xf32>
    %sub3A = vector.broadcast %div3A_42 : vector<1000x1xf32> to vector<1000x128xf32>
    %sub3A_43 = arith.subf %add3A_36, %sub3A : vector<1000x128xf32>
    %mul3A_44 = arith.mulf %sub3A_43, %sub3A_43 : vector<1000x128xf32>
    %reduce_sum3A_45 = arith.constant dense<0.000000e+00> : vector<1000xf32>
    %reduce_sum3A_46 = vector.multi_reduction <add>, %mul3A_44, %reduce_sum3A_45 [1] : vector<1000x128xf32> to vector<1000xf32>
    %broadcast_in_dim3A_47 = vector.shape_cast %reduce_sum3A_46 : vector<1000xf32> to vector<1000x1xf32>
    %div3A_48 = arith.constant 1.280000e+02 : f32
    %div3A_49 = vector.broadcast %div3A_48 : f32 to vector<1000x1xf32>
    %div3A_50 = arith.divf %broadcast_in_dim3A_47, %div3A_49 : vector<1000x1xf32>
    %add3A_51 = arith.constant 9.99999974E-6 : f32
    %add3A_52 = vector.broadcast %add3A_51 : f32 to vector<1000x1xf32>
    %add3A_53 = arith.addf %div3A_50, %add3A_52 : vector<1000x1xf32>
    %rsqrt3A = math.rsqrt %add3A_53 : vector<1000x1xf32>
    %mul3A_54 = vector.broadcast %rsqrt3A : vector<1000x1xf32> to vector<1000x128xf32>
    %mul3A_55 = arith.mulf %sub3A_43, %mul3A_54 : vector<1000x128xf32>
    %get3A_56 = arith.constant 0 : index
    %get3A_57 = arith.constant 0 : index
    %get3A_58 = vector.load %arg7[%get3A_56, %get3A_57] : memref<1x128xf32, #tpu.memory_space<vmem>>, vector<1x128xf32>
    %mul3A_59 = vector.broadcast %get3A_58 : vector<1x128xf32> to vector<1000x128xf32>
    %mul3A_60 = arith.mulf %mul3A_55, %mul3A_59 : vector<1000x128xf32>
    %get3A_61 = arith.constant 0 : index
    %get3A_62 = arith.constant 0 : index
    %get3A_63 = vector.load %arg8[%get3A_61, %get3A_62] : memref<1x128xf32, #tpu.memory_space<vmem>>, vector<1x128xf32>
    %add3A_64 = vector.broadcast %get3A_63 : vector<1x128xf32> to vector<1000x128xf32>
    %add3A_65 = arith.addf %mul3A_60, %add3A_64 : vector<1000x128xf32>
    %max3A = arith.constant 0.000000e+00 : f32
    %max3A_66 = vector.broadcast %max3A : f32 to vector<1000x128xf32>
    %max3A_67 = arith.maximumf %add3A_65, %max3A_66 : vector<1000x128xf32>
    %swap3A = arith.constant 0 : index
    %swap3A_68 = arith.constant 0 : index
    %swap3A_69 = vector.load %arg9[%swap3A, %swap3A_68] : memref<1000x128xf32, #tpu.memory_space<vmem>>, vector<1000x128xf32>
    tpu.vector_store %arg9[%swap3A, %swap3A_68], %max3A_67 {strides = array<i32>} : memref<1000x128xf32, #tpu.memory_space<vmem>>, vector<1000x128xf32>,
    return
  }
  func.func @transform_0(%arg0: i32) -> (i32, i32) {
    %c0_i32 = arith.constant 0 : i32
    %c0_i32_0 = arith.constant 0 : i32
    return %arg0, %c0_i32 : i32, i32
  }
  func.func @transform_1(%arg0: i32) -> (i32, i32, i32) {
    %c0_i32 = arith.constant 0 : i32
    %c0_i32_0 = arith.constant 0 : i32
    %c0_i32_1 = arith.constant 0 : i32
    return %c0_i32, %arg0, %c0_i32_0 : i32, i32, i32
  }
  func.func @transform_2(%arg0: i32) -> (i32, i32) {
    %c0_i32 = arith.constant 0 : i32
    %c0_i32_0 = arith.constant 0 : i32
    return %arg0, %c0_i32 : i32, i32
  }
  func.func @transform_3(%arg0: i32) -> (i32, i32) {
    %c0_i32 = arith.constant 0 : i32
    %c0_i32_0 = arith.constant 0 : i32
    %c0_i32_1 = arith.constant 0 : i32
    return %c0_i32, %c0_i32_0 : i32, i32
  }
  func.func @transform_4(%arg0: i32) -> (i32, i32) {
    %c0_i32 = arith.constant 0 : i32
    %c0_i32_0 = arith.constant 0 : i32
    %c0_i32_1 = arith.constant 0 : i32
    return %c0_i32, %c0_i32_0 : i32, i32
  }
  func.func @transform_5(%arg0: i32) -> (i32, i32) {
    %c0_i32 = arith.constant 0 : i32
    %c0_i32_0 = arith.constant 0 : i32
    %c0_i32_1 = arith.constant 0 : i32
    return %c0_i32, %c0_i32_0 : i32, i32
  }
  func.func @transform_6(%arg0: i32) -> (i32, i32) {
    %c0_i32 = arith.constant 0 : i32
    %c0_i32_0 = arith.constant 0 : i32
    %c0_i32_1 = arith.constant 0 : i32
    return %c0_i32, %c0_i32_0 : i32, i32
  }
  func.func @transform_7(%arg0: i32) -> (i32, i32) {
    %c0_i32 = arith.constant 0 : i32
    %c0_i32_0 = arith.constant 0 : i32
    %c0_i32_1 = arith.constant 0 : i32
    return %c0_i32, %c0_i32_0 : i32, i32
  }
  func.func @transform_8(%arg0: i32) -> (i32, i32) {
    %c0_i32 = arith.constant 0 : i32
    %c0_i32_0 = arith.constant 0 : i32
    return %arg0, %c0_i32 : i32, i32
  }
}

</mosaic_0001>

<sc_bundles>
// kernel: kernel.4.cloned.1.call-start
scs
__scs_entry_jumppad:
0x0: {  	(pc) =	sbr.rel $0x88, $3  }
0x1: {  	(tag) =	ssettag $0x0;
	lr =	simm.s32 $0x1  }
0x2: {  	[smem:$0x3F9B] =	sst lr;
	_ =	strace $0xD0000000  }
0x3: {  	_ = 	snop  }
0x4: {  	_ = 	snop  }
0x5: {  	_ = 	snop  }
0x6: {  	_ = 	snop  }
0x7: {  	_ = 	snop  }
__scs_overlays_trampoline_lowered:
0x8: {  	[smem:$0x3FAA] =	sst s0  }
0x9: {  	[smem:$0x3FAB] =	sst s1  }
0xa: {  	[smem:$0x3FAC] =	sst s2  }
0xb: {  	[smem:$0x3FAD] =	sst s3  }
0xc: {  	[smem:$0x3FAE] =	sst s4  }
0xd: {  	[smem:$0x3FAF] =	sst s5  }
0xe: {  	[smem:$0x3FB0] =	sst s6  }
0xf: {  	[smem:$0x3FB1] =	sst s7  }
0x10: {  	[smem:$0x3FB2] =	sst s8  }
0x11: {  	[smem:$0x3FB3] =	sst s9;
	s0 =	simm.s32 @!p0 $0x0  }
0x12: {  	s1 =	sld [smem:$0x3F99];
	s0 =	simm.s32 @p0 $0x1  }
0x13: {  	[smem:$0x3FB4] =	sst s0;
	s0 =	simm.s32 @!p1 $0x0  }
0x14: {  	s2 =	sld [smem:$0x3F98];
	s0 =	simm.s32 @p1 $0x1  }
0x15: {  	[smem:$0x3FB5] =	sst s0;
	s0 =	simm.s32 @!p2 $0x0  }
0x16: {  	s3 =	sld [smem:$0x3FDB];
	s0 =	simm.s32 @p2 $0x1  }
0x17: {  	s4 =	simm.s32 $0x1BF5;
	[smem:$0x3FB7] =	sst s0  }
0x18: {  	s0 =	sld [smem:$0x3F9A];
	_ =	swait.ge [sflag:s4], $0x0  }
0x19: {  	s7 =	sld [smem:$0x3F9B]  }
0x1a: {  	s8 =	sadd.s32 $0xFFFFE003, lr  }
0x1b: {  	s9 =	sadd.s32 $0xFFFFFEF7, lr;
	s5 =	simm.s32 $0xFFFFFFFF;
	p2 =	slt.u32 s8, $0xFFFFF086  }
0x1c: {  	p1 =	slt.u32 s9, $0xF7A;
	s5 =	simm.s32 @!p2 $0x0  }
0x1d: {  	s5 =	simm.s32 @p1 $0x1;
	p0 =	seq.s32 s7, s2  }
0x1e: {  	s7 =	smul.u32 @!p0 $0xF7A, s2;
	p2 =	seq.s32 @!p0 s5, $0x0  }
0x1f: {  	s9 =	smul.u32 $0xF7A, s1;
	s8 =	simm.s32 @!p0 $0x1BF5;
	p2 =	por !p2, p0  }
0x20: {  	[sflag:s8] =	ssyncset.s32 @!p0 $0xFFFFF086;
	s6 =	sadd.s32 @!p0 s3, s7;
	s7 =	simm.s32 @!p0 $0x108  }
0x21: {  	s3 =	sadd.s32 s3, s9;
	s6 =	sadd.s32 @!p0 $0x88, s6;
	s7 =	simm.s32 @p2 $0x1082  }
0x22: {  	[simem:s7], [sflag:s8] =	dma.local @!p0 [hbm:s6], $0xF7A  }
0x23: {  	s9 =	sor.u32 $0xD0000000, s2;
	s6 =	simm.s32 $0x108;
	_ =	swait.ge @!p0 [sflag:s8], $0x0  }
0x24: {  	s3 =	sadd.s32 $0x88, s3;
	s6 =	simm.s32 @!p1 $0x1082;
	[sflag:s4] =	ssyncset.s32 $0xFFFFF086  }
0x25: {  	[simem:s6], [sflag:s4] =	dma.local [hbm:s3], $0xF7A  }
0x26: {  	[smem:$0x3F9B] =	sst s1;
	(tag) =	ssettag s2;
	_ =	strace s9  }
0x27: {  	s1 =	sld [smem:$0x3FAB]  }
0x28: {  	s2 =	sld [smem:$0x3FAC]  }
0x29: {  	s4 =	sld [smem:$0x3FAE]  }
0x2a: {  	p0 =	seq.s32 s5, $0x0;
	s5 =	sld [smem:$0x3FAF]  }
0x2b: {  	s6 =	sld [smem:$0x3FB0]  }
0x2c: {  	s7 =	sld [smem:$0x3FB1]  }
0x2d: {  	s3 =	simm.s32 $0x108;
	s8 =	sld [smem:$0x3FB2]  }
0x2e: {  	s3 =	simm.s32 @!p0 $0x1082;
	s9 =	sld [smem:$0x3FB3]  }
0x2f: {  	lr =	sadd.s32 s0, s3;
	s0 =	sld [smem:$0x3FAA]  }
0x30: {  	s3 =	sld [smem:$0x3FAD]  }
0x31: {  	[smem:$0x3FB6] =	sst s10  }
0x32: {  	s10 =	sld [smem:$0x3FB4];
	_ =	sdelay $0x3  }
0x33: {  	p0 =	seq.s32 s10, $0x1;
	s10 =	sld [smem:$0x3FB6];
	_ =	sdelay $0x3  }
0x34: {  	[smem:$0x3FB6] =	sst s10  }
0x35: {  	s10 =	sld [smem:$0x3FB5];
	_ =	sdelay $0x3  }
0x36: {  	p1 =	seq.s32 s10, $0x1;
	s10 =	sld [smem:$0x3FB6];
	_ =	sdelay $0x3  }
0x37: {  	[smem:$0x3FB6] =	sst s10  }
0x38: {  	s10 =	sld [smem:$0x3FB7]  }
0x39: {  	_ = 	snop;
	(pc) =	sbr.ind lr, $3  }
0x3a: {  	_ = 	snop  }
0x3b: {  	_ = 	snop  }
0x3c: {  	p2 =	seq.s32 s10, $0x1;
	s10 =	sld [smem:$0x3FB6]  }
0x3d: {  	_ =	shalt  }
0x3e: {  	_ =	shalt  }
0x3f: {  	_ =	shalt  }
0x40: {  	_ =	shalt  }
0x41: {  	_ =	shalt  }
0x42: {  	_ =	shalt  }
0x43: {  	_ =	shalt  }
0x44: {  	_ =	shalt  }
0x45: {  	_ =	shalt  }
0x46: {  	_ =	shalt  }
0x47: {  	_ =	shalt  }
0x48: {  	_ =	shalt  }
0x49: {  	_ =	shalt  }
0x4a: {  	_ =	shalt  }
0x4b: {  	_ =	shalt  }
0x4c: {  	_ =	shalt  }
0x4d: {  	_ =	shalt  }
0x4e: {  	_ =	shalt  }
0x4f: {  	_ =	shalt  }
0x50: {  	_ =	shalt  }
0x51: {  	_ =	shalt  }
0x52: {  	_ =	shalt  }
0x53: {  	_ =	shalt  }
0x54: {  	_ =	shalt  }
0x55: {  	_ =	shalt  }
0x56: {  	_ =	shalt  }
0x57: {  	_ =	shalt  }
0x58: {  	_ =	shalt  }
0x59: {  	_ =	shalt  }
0x5a: {  	_ =	shalt  }
0x5b: {  	_ =	shalt  }
0x5c: {  	_ =	shalt  }
0x5d: {  	_ =	shalt  }
0x5e: {  	_ =	shalt  }
0x5f: {  	_ =	shalt  }
0x60: {  	_ =	shalt  }
0x61: {  	_ =	shalt  }
0x62: {  	_ =	shalt  }
0x63: {  	_ =	shalt  }
0x64: {  	_ =	shalt  }
0x65: {  	_ =	shalt  }
0x66: {  	_ =	shalt  }
0x67: {  	_ =	shalt  }
0x68: {  	_ =	shalt  }
0x69: {  	_ =	shalt  }
0x6a: {  	_ =	shalt  }
0x6b: {  	_ =	shalt  }
0x6c: {  	_ =	shalt  }
0x6d: {  	_ =	shalt  }
0x6e: {  	_ =	shalt  }
0x6f: {  	_ =	shalt  }
0x70: {  	_ =	shalt  }
0x71: {  	_ =	shalt  }
0x72: {  	_ =	shalt  }
0x73: {  	_ =	shalt  }
0x74: {  	_ =	shalt  }
0x75: {  	_ =	shalt  }
0x76: {  	_ =	shalt  }
0x77: {  	_ =	shalt  }
0x78: {  	_ =	shalt  }
0x79: {  	_ =	shalt  }
0x7a: {  	_ =	shalt  }
0x7b: {  	_ =	shalt  }
0x7c: {  	_ =	shalt  }
0x7d: {  	_ =	shalt  }
0x7e: {  	_ =	shalt  }
0x7f: {  	_ =	shalt  }
0x80: {  	_ =	shalt  }
0x81: {  	_ =	shalt  }
0x82: {  	_ =	shalt  }
0x83: {  	_ =	shalt  }
0x84: {  	_ =	shalt  }
0x85: {  	_ =	shalt  }
0x86: {  	_ =	shalt  }
0x87: {  	_ =	shalt  }
.Lfunc_end0:
.L_simem_size_0:
called_computation_lowered:
.L_overlay_start_0:
0x88: {  	s2 =	sld [smem:$0x3FD9]  }
0x89: {  	s3 =	sld [smem:$0x3FFE];
	_ =	sdelay $0x1  }
0x8a: {  	s1 =	srdreg.scid  }
0x8b: {  	s0 =	sand.u32 $0x1, s1  }
0x8c: {  	s17 =	sshll.u32 s0, $0xA;
	s2 =	sadd.s32 s3, s2  }
0x8d: {  	s2 =	sadd.s32 s2, s17  }
0x8e: {  	[smem:$0x3FC2] =	sst s2  }
0x8f: {  	_ = 	snop  }
0x90: {  	s2 =	sld [smem:$0x3FD0];
	(tm) =	ssettm $0x1  }
0x91: {  	s18 =	sld [smem:$0x3FFB];
	_ =	sdelay $0x3  }
0x92: {  	_ =	strace s18  }
0x93: {  	s3 =	sld [smem:$0x3FFC];
	_ =	sdelay $0x3  }
0x94: {  	_ =	strace s3  }
0x95: {  	s3 =	sld [smem:$0x3FFD];
	_ =	sdelay $0x3  }
0x96: {  	_ =	strace s3  }
0x97: {  	_ =	strace $0x8FFFFFFF  }
0x98: {  	s19 =	sld [smem:$0x3FDB];
	_ =	sdelay $0x1  }
0x99: {  	s4 =	simm.s32 $_scs_section_size  }
0x9a: {  	s5 =	simm.s32 $_size__tile_overlayer_lowered;
	s6 =	simm.s32 $_tile_overlayer_lowered  }
0x9b: {  	s22 =	simm.s32 $0x1BFF;
	s21 =	sshll.u32 s6, $0x1;
	s3 =	sadd.s32 s4, s19  }
0x9c: {  	s7 =	simm.s32 $0x0;
	s20 =	sshll.u32 s5, $0x1;
	s5 =	sadd.s32 s21, s3  }
0x9d: {  	[timem:s7], [sflag:s22] =	dma.local [hbm:s5], s20  }
0x9e: {  	_ =	swait.ge [sflag:s22], s20  }
0x9f: {  	s4 =	ssub.s32 $0x0, s20;
	[sflag:s22] =	ssyncset.done $0x0  }
0xa0: {  	[sflag:s22] =	ssyncadd.s32 s4;
	_ =	sdelay $0x1  }
0xa1: {  	s23 =	simm.s32 $0x1B8B  }
0xa2: {  	_ =	swait.ge [sflag:s23], $0x1  }
0xa3: {  	[sflag:s23] =	ssyncset.done $0x0  }
0xa4: {  	s25 =	simm.s32 $0x1B8E;
	s24 =	sld [smem:$0x3FFE];
	[sflag:s23] =	ssyncadd.s32 $0xFFFFFFFF  }
0xa5: {  	s26 =	simm.s32 $execute0_lowered;
	[smem:$0x3FD2] =	sst s25  }
0xa6: {  	s5 =	sshll.u32 s26, $0x1;
	_ =	strace $0x80000046;
	[dreg:$0x1] =	wrdreg $0xFFFFFFFF  }
0xa7: {  	s28 =	simm.s32 $_size_execute0_lowered;
	s3 =	sadd.s32 s3, s5;
	[dreg:$0x0] =	wrdreg $0x0  }
0xa8: {  	s5 =	sshll.u32 s28, $0x1;
	[dreg:$0x2] =	wrdreg s3  }
0xa9: {  	[dreg:$0x3] =	wrdreg s5  }
0xaa: {  	[dreg:$0x4] =	wrdreg $0xC0  }
0xab: {  	_ =	task [dreg:s7], $0x5FFFF  }
0xac: {  	[dreg:$0x1] =	wrdreg $0xFFFFFFFF  }
0xad: {  	[dreg:$0x0] =	wrdreg $0x60  }
0xae: {  	[dreg:$0x2] =	wrdreg s24  }
0xaf: {  	[dreg:$0x3] =	wrdreg s2  }
0xb0: {  	[dreg:$0x4] =	wrdreg $0x50800  }
0xb1: {  	[dreg:$0x5] =	wrdreg $0x9  }
0xb2: {  	_ =	task.clear_ibuf [dreg:s7], $0x6FFFF;
	_ =	strace $0x90000046  }
0xb3: {  	s29 =	simm.s32 $0x9;
	_ =	strace $0x80000048  }
0xb4: {  	_ =	swait.ge [sflag:s29], $0x1  }
0xb5: {  	[sflag:s29] =	ssyncadd.s32 $0xFFFFFFFF  }
0xb6: {  	_ =	strace $0x90000048  }
0xb7: {  	_ =	sfence  }
0xb8: {  	s30 =	sld [smem:$0x0];
	_ =	sdelay $0x2  }
0xb9: {  	s31 =	sshll.u32 s1, $0xD;
	s1 =	sshrl.u32 s1, $0x2  }
0xba: {  	s3 =	sand.u32 $0x4000, s31;
	s1 =	sadd.s32 s1, s30  }
0xbb: {  	s0 =	sor.u32 s3, s0;
	s1 =	sshll.u32 s1, $0x11  }
0xbc: {  	s0 =	sor.u32 s1, s0  }
0xbd: {  	s0 =	sadd.s32 $0x8F2B, s0  }
0xbe: {  	[sflag:s0] =	ssyncadd.remote.s32 $0x1  }
0xbf: {  	_ =	sfence.sel $0xFFFF  }
0xc0: {  	[dreg:$0x0] =	wrdreg $0xFFFFFFFF;
	(pc) =	sbr.abs _section_cstart, $3  }
0xc1: {  	[dreg:$0x1] =	wrdreg $0xFFFFFFFF  }
0xc2: {  	_ =	task.clear_ibuf [dreg:s7], $0x2FFFF;
	_ =	strace $0x9FFFFFFF  }
0xc3: {  	(tm) =	ssettm $0x7FFFFFFF  }
tec
execute0_lowered:
.L_overlay_start_1:
0x0: {  	(tag) =	ssettag $0x1  }
0x1: {  	s3 =	rddreg [dreg:$0x0]  }
0x2: {  	s0 =	srdreg.scid;
	s4 =	rddreg [dreg:$0x1]  }
0x3: {  	s1 =	rddreg [dreg:$0x2];
	s2 =	simm.s32 $0x0;
	s5 =	sand.u32 $0x1, s0  }
0x4: {  	s28 =	simm.s32 $0x2900;
	s0 =	stileid.u32;
	s6 =	smul.u32 $0x27100, s5  }
0x5: {  	s29 =	simm.s32 $0x1;
	s30 =	simm.s32 $0x100;
	s7 =	smul.u32 $0x2710, s0  }
0x6: {  	s31 =	simm.s32 $0x80;
	[smem:$0x7FF] =	sst s2;
	s8 =	smul.u32 $0x13800, s0  }
0x7: {  	s12 =	sadd.s32 $0x15C00, s3;
	s25 =	ssub.s32 $0x2, s5;
	s13 =	smul.u32 $0x138800, s5  }
0x8: {  	p0 =	sne.s32 s0, $0x0;
	s26 =	sshrl.u32 s25, $0x1;
	s6 =	sadd.s32 s7, s6  }
0x9: {  	s23 =	ssub.s32 s25, s26;
	s7 =	sshll.u32 s5, $0x4;
	s15 =	sadd.s32 $0x2800, s8  }
0xa: {  	s16 =	sadd.s32 $0x5000, s8;
	s17 =	sadd.s32 $0x7800, s8;
	s18 =	sadd.s32 $0xA000, s8  }
0xb: {  	s19 =	sadd.s32 $0xC800, s8;
	s20 =	sadd.s32 $0xF000, s8;
	s5 =	sadd.s32 s8, s13  }
0xc: {  	s21 =	sadd.s32 $0x11800, s8;
	s11 =	sshrl.u32 s6, $0x3;
	s7 =	sor.u32 s0, s7  }
0xd: {  	s5 =	sshrl.u32 s5, $0x3;
	s9 =	sadd.s32 s13, s15;
	s14 =	sadd.s32 s13, s16  }
0xe: {  	s24 =	sadd.s32 s13, s17;
	s25 =	sadd.s32 s13, s18;
	s15 =	sadd.s32 s15, s1  }
0xf: {  	s16 =	sadd.s32 s16, s1;
	s17 =	sadd.s32 s17, s1;
	s18 =	sadd.s32 s18, s1  }
0x10: {  	s23 =	smax.u32 s23, $0x1;
	s5 =	sadd.s32 s12, s5;
	s10 =	sshrl.u32 s9, $0x3  }
0x11: {  	s22 =	sshrl.u32 s14, $0x3;
	s6 =	sshrl.u32 s24, $0x3;
	s8 =	sshrl.u32 s25, $0x3  }
0x12: {  	s7 =	sshrl.u32 s7, $0x3;
	s9 =	sadd.s32 s13, s19;
	s14 =	sshll.u32 s0, $0x7  }
0x13: {  	s24 =	sadd.s32 s13, s20;
	s25 =	sadd.s32 s13, s21;
	s13 =	sshrl.u32 s13, $0x3  }
0x14: {  	s19 =	sadd.s32 s19, s1;
	s20 =	sadd.s32 s20, s1;
	s21 =	sadd.s32 s21, s1  }
0x15: {  	[dreg:$0x4] =	wrdreg s5;
	s5 =	sadd.s32 s12, s10;
	s26 =	sadd.s32 s12, s6  }
0x16: {  	s10 =	smul.u32 $0x13C00, s7;
	s7 =	sadd.s32 s12, s8;
	[dreg:$0x5] =	wrdreg s5  }
0x17: {  	s6 =	sshrl.u32 s9, $0x3;
	s5 =	sadd.s32 s12, s22;
	[dreg:$0x7] =	wrdreg s26  }
0x18: {  	s22 =	sand.u32 $0x380, s14;
	s8 =	sadd.s32 s12, s6;
	s26 =	sshrl.u32 s24, $0x3  }
0x19: {  	s24 =	sadd.s32 s12, s13;
	s6 =	smul.u32 $0x4E000, s0;
	s13 =	sadd.s32 $0x15600, s3  }
0x1a: {  	s0 =	simm.s32 $0x50;
	[dreg:$0x6] =	wrdreg s5;
	s22 =	sor.u32 s22, s10  }
0x1b: {  	s5 =	sshrl.u32 s25, $0x3;
	s9 =	sadd.s32 s12, s26;
	s25 =	sadd.s32 s11, s3  }
0x1c: {  	s10 =	sadd.s32 s12, s5;
	s22 =	sshrl.u32 s22, $0x3;
	_ =	strace $0x80000047  }
0x1d: {  	s12 =	sadd.s32 $0x15000, s3;
	s26 =	sshrl.u32 s6, $0x2;
	s3 =	simm.s32 $0x0  }
0x1e: {  	s11 =	sadd.s32 s4, s22;
	s14 =	sadd.s32 s26, s1;
	s22 =	sadd.s32 $0x27000, s24  }
0x1f: {  	v0 =	vimm.f32 $1.000000000e+00;
	s24 =	sadd.s32 $0x1400, s25;
	s25 =	sadd.s32 $0xB200, s25;
	s26 =	sadd.s32 $0x138000, s1  }
.LBB2_1:
0x20: {  	[tilespmem:s28], [sflag:$0x1] =	stream.linear.gather [hbm4b:s13+s2], $0x2780, $0x38;
	[tilespmem:$0x18900] =	vst v63  }
0x21: {  	_ =	swait.ge [sflag:s29], $0x2780  }
0x22: {  	[sflag:s29] =	ssyncset.done $0x0  }
0x23: {  	[sflag:s29] =	ssyncadd.s32 $0xFFFFD880  }
0x24: {  	[tilespmem:s30], [sflag:$0x1] =	stream.linear.gather [hbm4b:s12+s2], $0x2800, $0x38;
	[tilespmem:$0x18900] =	vst v63  }
0x25: {  	_ =	swait.ge [sflag:s29], $0x2800  }
0x26: {  	[sflag:s29] =	ssyncset.done $0x0  }
0x27: {  	[sflag:s29] =	ssyncadd.s32 $0xFFFFD800  }
0x28: {  	[spmem:s14] =	stream.linear.scatter [tilespmem:s30], [sflag:$0x1], $0x2800, $0x38;
	[tilespmem:$0x18900] =	vst v63  }
0x29: {  	_ =	swait.ge [sflag:s29], $0x2800  }
0x2a: {  	[sflag:s29] =	ssyncset.done $0x0  }
0x2b: {  	[sflag:s29] =	ssyncadd.s32 $0xFFFFD800  }
0x2c: {  	[spmem:s15] =	stream.linear.scatter [tilespmem:s30], [sflag:$0x1], $0x2800, $0x38;
	[tilespmem:$0x18900] =	vst v63  }
0x2d: {  	_ =	swait.ge [sflag:s29], $0x2800  }
0x2e: {  	[sflag:s29] =	ssyncset.done $0x0  }
0x2f: {  	[sflag:s29] =	ssyncadd.s32 $0xFFFFD800  }
0x30: {  	[spmem:s16] =	stream.linear.scatter [tilespmem:s30], [sflag:$0x1], $0x2800, $0x38;
	[tilespmem:$0x18900] =	vst v63  }
0x31: {  	_ =	swait.ge [sflag:s29], $0x2800  }
0x32: {  	[sflag:s29] =	ssyncset.done $0x0  }
0x33: {  	[sflag:s29] =	ssyncadd.s32 $0xFFFFD800  }
0x34: {  	[spmem:s17] =	stream.linear.scatter [tilespmem:s30], [sflag:$0x1], $0x2800, $0x38;
	[tilespmem:$0x18900] =	vst v63  }
0x35: {  	_ =	swait.ge [sflag:s29], $0x2800  }
0x36: {  	[sflag:s29] =	ssyncset.done $0x0  }
0x37: {  	[sflag:s29] =	ssyncadd.s32 $0xFFFFD800  }
0x38: {  	[spmem:s18] =	stream.linear.scatter [tilespmem:s30], [sflag:$0x1], $0x2800, $0x38;
	[tilespmem:$0x18900] =	vst v63  }
0x39: {  	_ =	swait.ge [sflag:s29], $0x2800  }
0x3a: {  	[sflag:s29] =	ssyncset.done $0x0  }
0x3b: {  	[sflag:s29] =	ssyncadd.s32 $0xFFFFD800  }
0x3c: {  	[spmem:s19] =	stream.linear.scatter [tilespmem:s30], [sflag:$0x1], $0x2800, $0x38;
	[tilespmem:$0x18900] =	vst v63  }
0x3d: {  	_ =	swait.ge [sflag:s29], $0x2800  }
0x3e: {  	[sflag:s29] =	ssyncset.done $0x0  }
0x3f: {  	[sflag:s29] =	ssyncadd.s32 $0xFFFFD800  }
0x40: {  	[spmem:s20] =	stream.linear.scatter [tilespmem:s30], [sflag:$0x1], $0x2800, $0x38;
	[tilespmem:$0x18900] =	vst v63  }
0x41: {  	_ =	swait.ge [sflag:s29], $0x2800  }
0x42: {  	[sflag:s29] =	ssyncset.done $0x0  }
0x43: {  	[sflag:s29] =	ssyncadd.s32 $0xFFFFD800  }
0x44: {  	[spmem:s21] =	stream.linear.scatter [tilespmem:s30], [sflag:$0x1], $0x2000, $0x38;
	[tilespmem:$0x18900] =	vst v63  }
0x45: {  	_ =	swait.ge [sflag:s29], $0x2000  }
0x46: {  	[sflag:s29] =	ssyncset.done $0x0  }
0x47: {  	s4 =	simm.s32 @!p0 $0x100;
	[sflag:s29] =	ssyncadd.s32 $0xFFFFE000  }
0x48: {  	[spmem:s26] =	stream.linear.scatter @!p0 [tilespmem:s4], [sflag:$0x1], $0x800, $0x38;
	[tilespmem:$0x18900] =	vst v63  }
0x49: {  	s4 =	simm.s32 @!p0 $0x1  }
0x4a: {  	_ =	swait.ge @!p0 [sflag:s4], $0x800  }
0x4b: {  	[sflag:s4] =	ssyncset.done @!p0 $0x0  }
0x4c: {  	[sflag:s4] =	ssyncadd.s32 @!p0 $0xFFFFF800  }
0x4d: {  	s4 =	simm.s32 $0x0;
	[bflag:$0x0] =	sbarrier.arrive $0xFFFF  }
.LBB2_2:
0x4e: {  	s5 =	sadd.s32 s4, s25  }
0x4f: {  	[tilespmem:s2], [sflag:$0x1] =	stream.linear.gather [hbm4b:s5+s2], $0x50, $0x38;
	[tilespmem:$0x18900] =	vst v63  }
0x50: {  	_ =	swait.ge [sflag:s29], $0x50  }
0x51: {  	[sflag:s29] =	ssyncset.done $0x0  }
0x52: {  	s6 =	sadd.s32 s4, s24;
	[sflag:s29] =	ssyncadd.s32 $0xFFFFFFB0  }
0x53: {  	[tilespmem:s31], [sflag:$0x1] =	stream.linear.gather [hbm4b:s6+s2], $0x50, $0x38;
	[tilespmem:$0x18900] =	vst v63  }
0x54: {  	_ =	swait.ge [sflag:s29], $0x50  }
0x55: {  	[sflag:s29] =	ssyncset.done $0x0  }
0x56: {  	[sflag:s29] =	ssyncadd.s32 $0xFFFFFFB0  }
0x57: {  	[spmem:s1] =	stream.indirect.scatter.add.f32 [tilespmem:s30], [sflag:$0x1], $0x80, s31, s0, $0xb8;
	[tilespmem:$0x18900] =	vst v63  }
0x58: {  	_ =	swait.ge [sflag:s29], $0x2800  }
0x59: {  	[sflag:s29] =	ssyncset.done $0x0  }
0x5a: {  	[sflag:s29] =	ssyncadd.s32 $0xFFFFD800  }
0x5b: {  	v1 =	vld [tilespmem:$0x80];
	_ =	sdelay $0x7  }
0x5c: {  	[tilespmem:v1+s28+$0x0] =	vst.idx.add.f32.msk $0xffff, v0  }
0x5d: {  	v1 =	vld [tilespmem:$0x90];
	_ =	sdelay $0x7  }
0x5e: {  	[tilespmem:v1+s28+$0x0] =	vst.idx.add.f32.msk $0xffff, v0  }
0x5f: {  	v1 =	vld [tilespmem:$0xA0];
	_ =	sdelay $0x7  }
0x60: {  	[tilespmem:v1+s28+$0x0] =	vst.idx.add.f32.msk $0xffff, v0  }
0x61: {  	v1 =	vld [tilespmem:$0xB0];
	_ =	sdelay $0x7  }
0x62: {  	[tilespmem:v1+s28+$0x0] =	vst.idx.add.f32.msk $0xffff, v0  }
0x63: {  	v1 =	vld [tilespmem:$0xC0];
	_ =	sdelay $0x2  }
0x64: {  	p1 =	sne.s32 s4, $0x4D8  }
.Ltmp0:
0x65: {  	_ = 	snop;
	(pc) =	sbr.rel @p1 .LBB2_2-.Ltmp0, $2  }
0x66: {  	_ =	sdelay $0x2  }
0x67: {  	s4 =	sadd.s32 $0xA, s4;
	[tilespmem:v1+s28+$0x0] =	vst.idx.add.f32.msk $0xffff, v0  }
0x68: {  	[bflag:$0x0] =	sbarrier.arrive $0xFFFF  }
0x69: {  	[tilespmem:s30], [sflag:$0x1] =	stream.linear.gather [spmem:s14], $0x2800, $0x38;
	[tilespmem:$0x18900] =	vst v63  }
0x6a: {  	_ =	swait.ge [sflag:s29], $0x2800  }
0x6b: {  	[sflag:s29] =	ssyncset.done $0x0  }
0x6c: {  	s4 =	rddreg [dreg:$0x4];
	[sflag:s29] =	ssyncadd.s32 $0xFFFFD800  }
0x6d: {  	[hbm4b:s4+s2] =	stream.linear.scatter [tilespmem:s30], [sflag:$0x1], $0x2800, $0x38;
	[tilespmem:$0x18900] =	vst v63  }
0x6e: {  	_ =	swait.ge [sflag:s29], $0x2800  }
0x6f: {  	[sflag:s29] =	ssyncset.done $0x0  }
0x70: {  	[sflag:s29] =	ssyncadd.s32 $0xFFFFD800  }
0x71: {  	[tilespmem:s30], [sflag:$0x1] =	stream.linear.gather [spmem:s15], $0x2800, $0x38;
	[tilespmem:$0x18900] =	vst v63  }
0x72: {  	_ =	swait.ge [sflag:s29], $0x2800  }
0x73: {  	[sflag:s29] =	ssyncset.done $0x0  }
0x74: {  	s5 =	rddreg [dreg:$0x5];
	[sflag:s29] =	ssyncadd.s32 $0xFFFFD800  }
0x75: {  	[hbm4b:s5+s2] =	stream.linear.scatter [tilespmem:s30], [sflag:$0x1], $0x2800, $0x38;
	[tilespmem:$0x18900] =	vst v63  }
0x76: {  	_ =	swait.ge [sflag:s29], $0x2800  }
0x77: {  	[sflag:s29] =	ssyncset.done $0x0  }
0x78: {  	[sflag:s29] =	ssyncadd.s32 $0xFFFFD800  }
0x79: {  	[tilespmem:s30], [sflag:$0x1] =	stream.linear.gather [spmem:s16], $0x2800, $0x38;
	[tilespmem:$0x18900] =	vst v63  }
0x7a: {  	_ =	swait.ge [sflag:s29], $0x2800  }
0x7b: {  	[sflag:s29] =	ssyncset.done $0x0  }
0x7c: {  	s6 =	rddreg [dreg:$0x6];
	[sflag:s29] =	ssyncadd.s32 $0xFFFFD800  }
0x7d: {  	[hbm4b:s6+s2] =	stream.linear.scatter [tilespmem:s30], [sflag:$0x1], $0x2800, $0x38;
	[tilespmem:$0x18900] =	vst v63  }
0x7e: {  	_ =	swait.ge [sflag:s29], $0x2800  }
0x7f: {  	[sflag:s29] =	ssyncset.done $0x0  }
0x80: {  	[sflag:s29] =	ssyncadd.s32 $0xFFFFD800  }
0x81: {  	[tilespmem:s30], [sflag:$0x1] =	stream.linear.gather [spmem:s17], $0x2800, $0x38;
	[tilespmem:$0x18900] =	vst v63  }
0x82: {  	_ =	swait.ge [sflag:s29], $0x2800  }
0x83: {  	[sflag:s29] =	ssyncset.done $0x0  }
0x84: {  	s5 =	rddreg [dreg:$0x7];
	[sflag:s29] =	ssyncadd.s32 $0xFFFFD800  }
0x85: {  	[hbm4b:s5+s2] =	stream.linear.scatter [tilespmem:s30], [sflag:$0x1], $0x2800, $0x38;
	[tilespmem:$0x18900] =	vst v63  }
0x86: {  	_ =	swait.ge [sflag:s29], $0x2800  }
0x87: {  	[sflag:s29] =	ssyncset.done $0x0  }
0x88: {  	[sflag:s29] =	ssyncadd.s32 $0xFFFFD800  }
0x89: {  	[tilespmem:s30], [sflag:$0x1] =	stream.linear.gather [spmem:s18], $0x2800, $0x38;
	[tilespmem:$0x18900] =	vst v63  }
0x8a: {  	_ =	swait.ge [sflag:s29], $0x2800  }
0x8b: {  	[sflag:s29] =	ssyncset.done $0x0  }
0x8c: {  	[sflag:s29] =	ssyncadd.s32 $0xFFFFD800  }
0x8d: {  	[hbm4b:s7+s2] =	stream.linear.scatter [tilespmem:s30], [sflag:$0x1], $0x2800, $0x38;
	[tilespmem:$0x18900] =	vst v63  }
0x8e: {  	_ =	swait.ge [sflag:s29], $0x2800  }
0x8f: {  	[sflag:s29] =	ssyncset.done $0x0  }
0x90: {  	[sflag:s29] =	ssyncadd.s32 $0xFFFFD800  }
0x91: {  	[tilespmem:s30], [sflag:$0x1] =	stream.linear.gather [spmem:s19], $0x2800, $0x38;
	[tilespmem:$0x18900] =	vst v63  }
0x92: {  	_ =	swait.ge [sflag:s29], $0x2800  }
0x93: {  	[sflag:s29] =	ssyncset.done $0x0  }
0x94: {  	[sflag:s29] =	ssyncadd.s32 $0xFFFFD800  }
0x95: {  	[hbm4b:s8+s2] =	stream.linear.scatter [tilespmem:s30], [sflag:$0x1], $0x2800, $0x38;
	[tilespmem:$0x18900] =	vst v63  }
0x96: {  	_ =	swait.ge [sflag:s29], $0x2800  }
0x97: {  	[sflag:s29] =	ssyncset.done $0x0  }
0x98: {  	[sflag:s29] =	ssyncadd.s32 $0xFFFFD800  }
0x99: {  	[tilespmem:s30], [sflag:$0x1] =	stream.linear.gather [spmem:s20], $0x2800, $0x38;
	[tilespmem:$0x18900] =	vst v63  }
0x9a: {  	_ =	swait.ge [sflag:s29], $0x2800  }
0x9b: {  	[sflag:s29] =	ssyncset.done $0x0  }
0x9c: {  	[sflag:s29] =	ssyncadd.s32 $0xFFFFD800  }
0x9d: {  	[hbm4b:s9+s2] =	stream.linear.scatter [tilespmem:s30], [sflag:$0x1], $0x2800, $0x38;
	[tilespmem:$0x18900] =	vst v63  }
0x9e: {  	_ =	swait.ge [sflag:s29], $0x2800  }
0x9f: {  	[sflag:s29] =	ssyncset.done $0x0  }
0xa0: {  	[sflag:s29] =	ssyncadd.s32 $0xFFFFD800  }
0xa1: {  	[tilespmem:s30], [sflag:$0x1] =	stream.linear.gather [spmem:s21], $0x2000, $0x38;
	[tilespmem:$0x18900] =	vst v63  }
0xa2: {  	_ =	swait.ge [sflag:s29], $0x2000  }
0xa3: {  	[sflag:s29] =	ssyncset.done $0x0  }
0xa4: {  	[sflag:s29] =	ssyncadd.s32 $0xFFFFE000  }
0xa5: {  	[hbm4b:s10+s2] =	stream.linear.scatter [tilespmem:s30], [sflag:$0x1], $0x2000, $0x38;
	[tilespmem:$0x18900] =	vst v63  }
0xa6: {  	_ =	swait.ge [sflag:s29], $0x2000  }
0xa7: {  	[sflag:s29] =	ssyncset.done $0x0  }
0xa8: {  	s4 =	simm.s32 @!p0 $0x100;
	s5 =	simm.s32 @!p0 $0x1;
	[sflag:s29] =	ssyncadd.s32 $0xFFFFE000  }
0xa9: {  	[tilespmem:s4], [sflag:$0x1] =	stream.linear.gather @!p0 [spmem:s26], $0x800, $0x38;
	[tilespmem:$0x18900] =	vst v63  }
0xaa: {  	_ =	swait.ge @!p0 [sflag:s5], $0x800  }
0xab: {  	[sflag:s5] =	ssyncset.done @!p0 $0x0  }
0xac: {  	s6 =	simm.s32 @!p0 $0x0;
	[sflag:s5] =	ssyncadd.s32 @!p0 $0xFFFFF800  }
0xad: {  	[hbm4b:s22+s6] =	stream.linear.scatter @!p0 [tilespmem:s4], [sflag:$0x1], $0x800, $0x38;
	[tilespmem:$0x18900] =	vst v63  }
0xae: {  	s3 =	sadd.s32 $0x1, s3;
	_ =	swait.ge @!p0 [sflag:s5], $0x800  }
0xaf: {  	p1 =	sne.s32 s3, s23;
	[sflag:s5] =	ssyncset.done @!p0 $0x0  }
.Ltmp1:
0xb0: {  	s6 =	simm.s32 $0x400;
	[sflag:s5] =	ssyncadd.s32 @!p0 $0xFFFFF800;
	(pc) =	sbr.rel @p1 .LBB2_1-.Ltmp1, $4  }
0xb1: {  	[hbm4b:s11+s31] =	stream.strided.scatter [tilespmem:s28], [sflag:$0x1], $0x2780, s6, s31, $0x38;
	[tilespmem:$0x18900] =	vst v63  }
0xb2: {  	_ =	swait.ge [sflag:s29], $0x2780  }
0xb3: {  	[sflag:s29] =	ssyncset.done $0x0  }
0xb4: {  	[sflag:s29] =	ssyncadd.s32 $0xFFFFD880  }
0xb5: {  	_ =	sfence.sel $0x180000  }
0xb6: {  	[bflag:$0x0] =	sbarrier.arrive $0xFFFF  }
0xb7: {  	_ =	strace $0x90000047  }
0xb8: {  	[bflag:$0x2] =	sbarrier.arrive $0xFFFF  }
0xb9: {  	s0 =	rddreg [dreg:$0x3]  }
0xba: {  	s0 =	sadd.s32 @!p0 $0x100000, s0  }
0xbb: {  	[sflag:s0] =	ssyncadd.tile.s32 @!p0 $0x1;
	_ =	shalt  }
.Lfunc_end2:
_tile_overlayer_lowered:
.L_overlay_start_2:
0xbc: {  	(tag) =	ssettag $0x2  }
0xbd: {  	s0 =	rddreg [dreg:$0x0];
	s2 =	stileid.u32  }
0xbe: {  	s1 =	rddreg [dreg:$0x1];
	p0 =	sne.s32 s2, $0x0  }
0xbf: {  	s3 =	rddreg [dreg:$0x2];
	[bflag:$0x3] =	sbarrier.arrive $0xFFFF;
	s2 =	simm.s32 @!p0 $0x1C01  }
0xc0: {  	[timem:s3], [sflag:s2] =	dma.local @!p0 [hbm:s0], s1  }
0xc1: {  	s0 =	simm.s32 @!p0 $0x1  }
0xc2: {  	_ =	swait.ge @!p0 [sflag:s0], s1  }
0xc3: {  	s1 =	ssub.s32 @!p0 $0x0, s1;
	[sflag:s0] =	ssyncset.done @!p0 $0x0  }
0xc4: {  	[sflag:s0] =	ssyncadd.s32 @!p0 s1  }
0xc5: {  	[bflag:$0x3] =	sbarrier.arrive $0xFFFF  }
0xc6: {  	_ =	shalt  }

</sc_bundles>
